<compile_context>
chip_gen: v7x
topology: tpu7x:2x2x1
jax: 0.10.2.dev20260603
libtpu: 0.0.44.dev20260713+nightly
codegen_flags: <defaults>
</compile_context>

<pallas_src>
import functools

import jax
import jax.numpy as jnp
from jax import lax
from jax.experimental import pallas as pl
from jax.experimental.pallas import tpu as pltpu
from jax.experimental.pallas import tpu_sc as plsc

B = 8192
D_IN = 768
D = 256
K = 32
NSEL = K + 1

R = 256
CT = 512
CTB = 2048
T = 4
NC = 2
NS = 16
ROWS_PER_TILE = B // (NC * NS)

_BIG_I = 2**31 - 1
_INF = float("inf")


def _proj_body(img_ref, w_ref, out_ref):
    out_ref[...] = lax.dot_general(
        img_ref[...], w_ref[...], (((1,), (0,)), ((), ())),
        precision=lax.Precision.HIGHEST,
        preferred_element_type=jnp.float32)


def _project(images, w):
    rb = 512
    return pl.pallas_call(
        _proj_body,
        grid=(B // rb,),
        in_specs=[
            pl.BlockSpec((rb, D_IN), lambda i: (i, 0)),
            pl.BlockSpec((D_IN, D), lambda i: (0, 0)),
        ],
        out_specs=pl.BlockSpec((rb, D), lambda i: (i, 0)),
        out_shape=jax.ShapeDtypeStruct((B, D), jnp.float32),
    )(images, w)


def _topk_body(xr_ref, vf_ref, idx_ref, stats_ref,
               candk_ref, x2row_ref, ko_ref, vd_ref):
    i = pl.program_id(0)

    @pl.when(i == 0)
    def _():
        vff = vf_ref[...].astype(jnp.float32)
        vf2 = vff * vff
        x2row_ref[...] = lax.dot_general(
            jnp.ones((8, D), jnp.float32), vf2, (((1,), (1,)), ((), ())),
            precision=lax.Precision.HIGHEST,
            preferred_element_type=jnp.float32)

    candk_ref[...] = jnp.full((R, T * CT), _BIG_I, jnp.int32)

    x_rb = xr_ref[...]
    xf = x_rb.astype(jnp.float32)
    x2_rb = jnp.sum(xf * xf, axis=1, keepdims=True)
    grow = (lax.broadcasted_iota(jnp.int32, (R, CTB), 0) + i * R)
    gcol_base = lax.broadcasted_iota(jnp.int32, (R, CTB), 1)

    def _ce(a, b):
        return jnp.minimum(a, b), jnp.maximum(a, b)

    def _sort4(s):
        s[0], s[1] = _ce(s[0], s[1])
        s[2], s[3] = _ce(s[2], s[3])
        s[0], s[2] = _ce(s[0], s[2])
        s[1], s[3] = _ce(s[1], s[3])
        s[1], s[2] = _ce(s[1], s[2])
        return s

    def _merge2(A, Bl):
        lo = [jnp.minimum(A[k], Bl[T - 1 - k]) for k in range(T)]
        lo[0], lo[2] = _ce(lo[0], lo[2])
        lo[1], lo[3] = _ce(lo[1], lo[3])
        lo[0], lo[1] = _ce(lo[0], lo[1])
        lo[2], lo[3] = _ce(lo[2], lo[3])
        return lo

    for ct in range(B // CTB):
        vfc = vf_ref[pl.ds(ct * CTB, CTB), :]
        dots = lax.dot_general(
            x_rb, vfc, (((1,), (1,)), ((), ())),
            preferred_element_type=jnp.float32)
        x2c = x2row_ref[0:1, pl.ds(ct * CTB, CTB)]
        d2 = x2_rb + x2c - 2.0 * dots
        gcol = gcol_base + ct * CTB
        diag = gcol == grow
        bits = lax.bitcast_convert_type(jnp.maximum(d2, 0.0), jnp.int32)
        keys = (bits & ~0x1FFF) | gcol
        keys = jnp.where(diag, _BIG_I, keys)

        @pl.when(i // (CTB // R) == ct)
        def _():
            vd_ref[...] = jnp.sum(jnp.where(diag, d2, 0.0), axis=1,
                                  keepdims=True)

        s = _sort4([keys[:, q * CT:(q + 1) * CT] for q in range(4)])
        lists = [candk_ref[:, t * CT:(t + 1) * CT] for t in range(T)]
        merged = _merge2(lists, s)
        for t in range(T):
            candk_ref[:, t * CT:(t + 1) * CT] = merged[t]

    v_d = vd_ref[...]

    cols = []
    for c in range(4):
        cols.append([candk_ref[:, t * CT + c * 128: t * CT + c * 128 + 128]
                     for t in range(T)])
    merged = _merge2(_merge2(cols[0], cols[1]), _merge2(cols[2], cols[3]))
    for t in range(T):
        candk_ref[:, t * CT: t * CT + 128] = merged[t]

    lane128 = lax.broadcasted_iota(jnp.int32, (R, 128), 1)
    rowid = (lax.broadcasted_iota(jnp.int32, (R, 1), 0) + i * R)

    def ex_body(k, _):
        top = candk_ref[:, 0:128]
        m = jnp.min(top, axis=1, keepdims=True)
        lane_mask = top == m
        for t in range(T - 1):
            sl = pl.ds(t * CT, 128)
            sn = pl.ds((t + 1) * CT, 128)
            candk_ref[:, sl] = jnp.where(lane_mask, candk_ref[:, sn],
                                         candk_ref[:, sl])
        sl = pl.ds((T - 1) * CT, 128)
        candk_ref[:, sl] = jnp.where(lane_mask, _BIG_I, candk_ref[:, sl])
        ko_ref[...] = jnp.where(lane128 == k, m, ko_ref[...])
        return 0

    lax.fori_loop(0, NSEL, ex_body, 0)

    ko = ko_ref[...]
    vals = lax.bitcast_convert_type(ko & ~0x1FFF, jnp.float32)
    g = ko & 0x1FFF
    idx_ref[...] = g - (g > rowid).astype(jnp.int32)

    v31 = vals[:, (K - 1):K]
    v32 = vals[:, K:(K + 1)]
    a_k = jnp.sqrt(jnp.maximum(v32, 0.0))
    kth2 = jnp.minimum(jnp.maximum(v_d, v31), v32)
    kth = jnp.sqrt(jnp.maximum(kth2, 0.0))
    stats_ref[...] = jnp.where(
        lane128 == 0, a_k, jnp.where(lane128 == 1, kth, 0.0))


def _topk(vf):
    vfb = vf.astype(jnp.bfloat16)
    return pl.pallas_call(
        _topk_body,
        grid=(B // R,),
        in_specs=[
            pl.BlockSpec((R, D), lambda i: (i, 0)),
            pl.BlockSpec((B, D), lambda i: (0, 0)),
        ],
        out_specs=[
            pl.BlockSpec((R, 128), lambda i: (i, 0)),
            pl.BlockSpec((R, 128), lambda i: (i, 0)),
        ],
        out_shape=[
            jax.ShapeDtypeStruct((B, 128), jnp.int32),
            jax.ShapeDtypeStruct((B, 128), jnp.float32),
        ],
        scratch_shapes=[
            pltpu.VMEM((R, T * CT), jnp.int32),
            pltpu.VMEM((8, B), jnp.float32),
            pltpu.VMEM((R, 128), jnp.int32),
            pltpu.VMEM((R, 1), jnp.float32),
        ],
    )(vfb, vfb)


def _sc_score_body(kth_hbm, ak_hbm, idx_hbm, out_hbm,
                   kth_v, ak_v, idx_v, sc_v):
    wid = lax.axis_index("s") * NC + lax.axis_index("c")
    base = wid * ROWS_PER_TILE
    pltpu.sync_copy(kth_hbm, kth_v)
    pltpu.sync_copy(ak_hbm.at[pl.ds(base, ROWS_PER_TILE)], ak_v)
    pltpu.sync_copy(idx_hbm.at[wid], idx_v)

    def g_body(g, _):
        r0 = g * 16
        ak16 = ak_v[pl.ds(r0, 16)]
        acc = jnp.zeros((16,), jnp.float32)
        for m in range(K):
            iv = idx_v[pl.ds(m * ROWS_PER_TILE + r0, 16)]
            dk = plsc.load_gather(kth_v, [iv])
            acc = acc + ak16 / dk
        s = acc * (1.0 / K)
        s = jnp.where(s != s, 1000.0, s)
        s = jnp.where(s == _INF, 1000.0, s)
        s = jnp.where(s == -_INF, 0.0, s)
        sc_v[pl.ds(r0, 16)] = s
        return 0

    lax.fori_loop(0, ROWS_PER_TILE // 16, g_body, 0)
    pltpu.sync_copy(sc_v, out_hbm.at[pl.ds(base, ROWS_PER_TILE)])


@functools.cache
def _make_sc_score():
    return pl.kernel(
        _sc_score_body,
        out_type=jax.ShapeDtypeStruct((B,), jnp.float32),
        mesh=plsc.VectorSubcoreMesh(core_axis_name="c", subcore_axis_name="s",
                                    num_cores=NC, num_subcores=NS),
        compiler_params=pltpu.CompilerParams(needs_layout_passes=False),
        scratch_types=[
            pltpu.VMEM((B,), jnp.float32),
            pltpu.VMEM((ROWS_PER_TILE,), jnp.float32),
            pltpu.VMEM((K * ROWS_PER_TILE,), jnp.int32),
            pltpu.VMEM((ROWS_PER_TILE,), jnp.float32),
        ],
    )


def _score_stage(kth, a_k, idx_sc):
    return _make_sc_score()(kth, a_k, idx_sc)


def kernel(images, W):
    vf = _project(images, W)
    idx_out, stats_out = _topk(vf)
    a_k = stats_out[:, 0]
    kth = stats_out[:, 1]
    idx32 = idx_out[:, :K]
    idx_sc = (idx32.reshape(NC * NS, ROWS_PER_TILE, K)
              .transpose(0, 2, 1)
              .reshape(NC * NS, K * ROWS_PER_TILE))
    return _score_stage(kth, a_k, idx_sc)

# --- scband reference (transcript-rebuilt; emitter-appended) ---
"""Pipeline reference for scband-slofdetector-41721312313544 (READ-ONLY COPY).

The authoritative reference and input builder live on the scoring server;
editing this copy changes nothing except your own understanding.
"""

import jax, jax.numpy as jnp
import numpy as np

B = 8192
D_IN = 768
D = 256
K = 32


def _cdist(x, y):
    # torch.cdist(p=2) with use_mm_for_euclid_dist: ||x||^2 + ||y||^2 - 2 x y^T
    x2 = jnp.sum(x * x, axis=1, keepdims=True)
    y2 = jnp.sum(y * y, axis=1, keepdims=True).T
    d2 = x2 + y2 - 2.0 * (x @ y.T)
    return jnp.sqrt(jnp.clip(d2, 0.0, None))


def setup_inputs(seed: int = 0) -> dict:
    key = jax.random.key(seed)
    k1, k2 = jax.random.split(key)
    images = jax.random.normal(k1, (B, D_IN), dtype=jnp.float32)
    W = jax.random.normal(k2, (D_IN, D), dtype=jnp.float32) * 0.02
    return {"images": images, "W": W}


def reference(images, W):
    b = images.shape[0]
    # model.encode_image(images) modeled as a linear projection
    vision_features = images @ W
    full_rank_vision_reference = vision_features  # gather_distributed=False

    # get_pair_wise_distance: cdist then remove the self-match diagonal (rank 0 -> offset 0)
    r = _cdist(vision_features, full_rank_vision_reference)
    mask = np.zeros((b, full_rank_vision_reference.shape[0]), dtype=bool)
    np.fill_diagonal(mask, True)
    keep = np.nonzero(~mask)
    d = r[keep].reshape(b, -1)  # [b, b-1]

    a = jnp.sort(d, axis=1)
    idx = jnp.argsort(d, axis=1)

    full_rank_reference = full_rank_vision_reference
    full_d = _cdist(full_rank_reference, full_rank_reference)
    a_full_d = jnp.sort(full_d, axis=1)

    idx_k = idx[:, :K]
    d_k = jnp.take(a_full_d, idx_k, axis=0)[:, :, K]  # [b, K]

    scores = a[:, K][:, None] / d_k
    scores = jnp.mean(scores, axis=1)
    scores = jnp.nan_to_num(scores, nan=1000.0, posinf=1000.0, neginf=0.0)
    return scores


if False:  # reference __main__ guard neutralized (emitter)
    out = reference(**setup_inputs())
    print(out.shape, out.dtype)

if __name__ == "__main__":
    import jax
    _d = setup_inputs()
    print(jax.jit(kernel)(*tuple(_d.values())))

</pallas_src>

<mosaic_0001>
#map = affine_map<(d0, d1) -> (0)>
#map1 = affine_map<(d0, d1) -> (0, 0)>
module attributes {stable_mosaic.version = 14 : i64} {
  func.func @_sc_score_body(%arg0: i32, %arg1: i32, %arg2: memref<8192xf32, #tpu.memory_space<hbm>>, %arg3: memref<8192xf32, #tpu.memory_space<hbm>>, %arg4: memref<32x8192xi32, #tpu.memory_space<hbm>>, %arg5: memref<8192xf32, #tpu.memory_space<hbm>>, %arg6: memref<8192xf32, #tpu.memory_space<vmem>>, %arg7: memref<256xf32, #tpu.memory_space<vmem>>, %arg8: memref<8192xi32, #tpu.memory_space<vmem>>, %arg9: memref<256xf32, #tpu.memory_space<vmem>>) attributes {dimension_semantics = [#tpu.dimension_semantics<core_parallel>, #tpu.dimension_semantics<subcore_parallel>], iteration_bounds = array<i64: 2, 16>, scalar_prefetch = 0 : i64, scratch_operands = 4 : i64, tpu.core_type = #tpu.core_type<sc_vector_subcore>, window_params = [{transform_indices = #map}, {transform_indices = #map}, {transform_indices = #map1}, {transform_indices = #map}]} {
    %mul3A = arith.constant 2 : i32
    %mul3A_0 = arith.muli %arg1, %mul3A : i32
    %add3A = arith.addi %mul3A_0, %arg0 : i32
    %mul3A_1 = arith.constant 256 : i32
    %mul3A_2 = arith.muli %add3A, %mul3A_1 : i32
    "tpu.region"() ({
      %run_scoped3A = tpu.sem_alloc : memref<!tpu.dma_semaphore, #tpu.memory_space<semaphore_mem>>
      tpu.enqueue_dma source(%arg2 : memref<8192xf32, #tpu.memory_space<hbm>>) target(%arg6 : memref<8192xf32, #tpu.memory_space<vmem>>) target_semaphore(%run_scoped3A : memref<!tpu.dma_semaphore, #tpu.memory_space<semaphore_mem>>)
      tpu.wait_dma2 semaphore(%run_scoped3A : memref<!tpu.dma_semaphore, #tpu.memory_space<semaphore_mem>>) src(%arg2 : memref<8192xf32, #tpu.memory_space<hbm>>) dst(%arg6 : memref<8192xf32, #tpu.memory_space<vmem>>)
      tpu.yield
    }) : () -> ()
    "tpu.region"() ({
      %run_scoped3A = tpu.sem_alloc : memref<!tpu.dma_semaphore, #tpu.memory_space<semaphore_mem>>
      %dma_start3A = tpu.memref_slice %arg3[%mul3A_2] : memref<8192xf32, #tpu.memory_space<hbm>> -> memref<256xf32, #tpu.memory_space<hbm>>
      %dma_start3A_9 = tpu.memref_slice %arg3[%mul3A_2] : memref<8192xf32, #tpu.memory_space<hbm>> -> memref<256xf32, #tpu.memory_space<hbm>>
      tpu.enqueue_dma source(%dma_start3A_9 : memref<256xf32, #tpu.memory_space<hbm>>) target(%arg7 : memref<256xf32, #tpu.memory_space<vmem>>) target_semaphore(%run_scoped3A : memref<!tpu.dma_semaphore, #tpu.memory_space<semaphore_mem>>)
      %dma_wait3A = tpu.memref_slice %arg3[%mul3A_2] : memref<8192xf32, #tpu.memory_space<hbm>> -> memref<256xf32, #tpu.memory_space<hbm>>
      %dma_wait3A_10 = tpu.memref_slice %arg3[%mul3A_2] : memref<8192xf32, #tpu.memory_space<hbm>> -> memref<256xf32, #tpu.memory_space<hbm>>
      tpu.wait_dma2 semaphore(%run_scoped3A : memref<!tpu.dma_semaphore, #tpu.memory_space<semaphore_mem>>) src(%dma_wait3A_10 : memref<256xf32, #tpu.memory_space<hbm>>) dst(%arg7 : memref<256xf32, #tpu.memory_space<vmem>>)
      tpu.yield
    }) : () -> ()
    "tpu.region"() ({
      %run_scoped3A = tpu.sem_alloc : memref<!tpu.dma_semaphore, #tpu.memory_space<semaphore_mem>>
      %dma_start3A = arith.constant 0 : i32
      %dma_start3A_9 = tpu.memref_slice %arg4[%add3A, %dma_start3A] : memref<32x8192xi32, #tpu.memory_space<hbm>> -> memref<1x8192xi32, #tpu.memory_space<hbm>>
      %dma_start3A_10 = tpu.memref_squeeze %dma_start3A_9 : memref<1x8192xi32, #tpu.memory_space<hbm>> -> memref<8192xi32, #tpu.memory_space<hbm>>
      %dma_start3A_11 = arith.constant 0 : i32
      %dma_start3A_12 = tpu.memref_slice %arg4[%add3A, %dma_start3A_11] : memref<32x8192xi32, #tpu.memory_space<hbm>> -> memref<1x8192xi32, #tpu.memory_space<hbm>>
      %dma_start3A_13 = tpu.memref_squeeze %dma_start3A_12 : memref<1x8192xi32, #tpu.memory_space<hbm>> -> memref<8192xi32, #tpu.memory_space<hbm>>
      tpu.enqueue_dma source(%dma_start3A_13 : memref<8192xi32, #tpu.memory_space<hbm>>) target(%arg8 : memref<8192xi32, #tpu.memory_space<vmem>>) target_semaphore(%run_scoped3A : memref<!tpu.dma_semaphore, #tpu.memory_space<semaphore_mem>>)
      %dma_wait3A = arith.constant 0 : i32
      %dma_wait3A_14 = tpu.memref_slice %arg4[%add3A, %dma_wait3A] : memref<32x8192xi32, #tpu.memory_space<hbm>> -> memref<1x8192xi32, #tpu.memory_space<hbm>>
      %dma_wait3A_15 = tpu.memref_squeeze %dma_wait3A_14 : memref<1x8192xi32, #tpu.memory_space<hbm>> -> memref<8192xi32, #tpu.memory_space<hbm>>
      %dma_wait3A_16 = arith.constant 0 : i32
      %dma_wait3A_17 = tpu.memref_slice %arg4[%add3A, %dma_wait3A_16] : memref<32x8192xi32, #tpu.memory_space<hbm>> -> memref<1x8192xi32, #tpu.memory_space<hbm>>
      %dma_wait3A_18 = tpu.memref_squeeze %dma_wait3A_17 : memref<1x8192xi32, #tpu.memory_space<hbm>> -> memref<8192xi32, #tpu.memory_space<hbm>>
      tpu.wait_dma2 semaphore(%run_scoped3A : memref<!tpu.dma_semaphore, #tpu.memory_space<semaphore_mem>>) src(%dma_wait3A_18 : memref<8192xi32, #tpu.memory_space<hbm>>) dst(%arg8 : memref<8192xi32, #tpu.memory_space<vmem>>)
      tpu.yield
    }) : () -> ()
    %scan3A = arith.constant 0 : i32
    %scan3A_3 = arith.constant 0 : i32
    %scan3A_4 = arith.constant 16 : i32
    %scan3A_5 = arith.addi %scan3A_3, %scan3A_4 : i32
    %scan3A_6 = arith.constant 1 : i32
    %scan3A_7 = scf.for %scan3A_9 = %scan3A_3 to %scan3A_5 step %scan3A_6 iter_args(%scan3A_10 = %scan3A) -> (i32)  : i32 {
      %mul3A_11 = arith.constant 16 : i32
      %mul3A_12 = arith.muli %scan3A_9, %mul3A_11 : i32
      %get3A = arith.index_cast %mul3A_12 : i32 to index
      %get3A_13 = tpu.vector_load %arg7[%get3A] {strides = array<i32>} : memref<256xf32, #tpu.memory_space<vmem>>, vector<16xf32>,
      %broadcast_in_dim3A = arith.constant 0.000000e+00 : f32
      %broadcast_in_dim3A_14 = vector.broadcast %broadcast_in_dim3A : f32 to vector<16xf32>
      %add3A_15 = arith.constant 0 : i32
      %add3A_16 = arith.addi %add3A_15, %mul3A_12 : i32
      %get3A_17 = arith.index_cast %add3A_16 : i32 to index
      %get3A_18 = tpu.vector_load %arg8[%get3A_17] {strides = array<i32>} : memref<8192xi32, #tpu.memory_space<vmem>>, vector<16xi32>,
      %gather3A = tpu.vector_load_idx %arg6[%get3A_18] : memref<8192xf32, #tpu.memory_space<vmem>>[vector<16xi32>], vector<16xf32>,
      %div3A = arith.divf %get3A_13, %gather3A : vector<16xf32>
      %add3A_19 = arith.addf %broadcast_in_dim3A_14, %div3A : vector<16xf32>
      %add3A_20 = arith.constant 256 : i32
      %add3A_21 = arith.addi %add3A_20, %mul3A_12 : i32
      %get3A_22 = arith.index_cast %add3A_21 : i32 to index
      %get3A_23 = tpu.vector_load %arg8[%get3A_22] {strides = array<i32>} : memref<8192xi32, #tpu.memory_space<vmem>>, vector<16xi32>,
      %gather3A_24 = tpu.vector_load_idx %arg6[%get3A_23] : memref<8192xf32, #tpu.memory_space<vmem>>[vector<16xi32>], vector<16xf32>,
      %div3A_25 = arith.divf %get3A_13, %gather3A_24 : vector<16xf32>
      %add3A_26 = arith.addf %add3A_19, %div3A_25 : vector<16xf32>
      %add3A_27 = arith.constant 512 : i32
      %add3A_28 = arith.addi %add3A_27, %mul3A_12 : i32
      %get3A_29 = arith.index_cast %add3A_28 : i32 to index
      %get3A_30 = tpu.vector_load %arg8[%get3A_29] {strides = array<i32>} : memref<8192xi32, #tpu.memory_space<vmem>>, vector<16xi32>,
      %gather3A_31 = tpu.vector_load_idx %arg6[%get3A_30] : memref<8192xf32, #tpu.memory_space<vmem>>[vector<16xi32>], vector<16xf32>,
      %div3A_32 = arith.divf %get3A_13, %gather3A_31 : vector<16xf32>
      %add3A_33 = arith.addf %add3A_26, %div3A_32 : vector<16xf32>
      %add3A_34 = arith.constant 768 : i32
      %add3A_35 = arith.addi %add3A_34, %mul3A_12 : i32
      %get3A_36 = arith.index_cast %add3A_35 : i32 to index
      %get3A_37 = tpu.vector_load %arg8[%get3A_36] {strides = array<i32>} : memref<8192xi32, #tpu.memory_space<vmem>>, vector<16xi32>,
      %gather3A_38 = tpu.vector_load_idx %arg6[%get3A_37] : memref<8192xf32, #tpu.memory_space<vmem>>[vector<16xi32>], vector<16xf32>,
      %div3A_39 = arith.divf %get3A_13, %gather3A_38 : vector<16xf32>
      %add3A_40 = arith.addf %add3A_33, %div3A_39 : vector<16xf32>
      %add3A_41 = arith.constant 1024 : i32
      %add3A_42 = arith.addi %add3A_41, %mul3A_12 : i32
      %get3A_43 = arith.index_cast %add3A_42 : i32 to index
      %get3A_44 = tpu.vector_load %arg8[%get3A_43] {strides = array<i32>} : memref<8192xi32, #tpu.memory_space<vmem>>, vector<16xi32>,
      %gather3A_45 = tpu.vector_load_idx %arg6[%get3A_44] : memref<8192xf32, #tpu.memory_space<vmem>>[vector<16xi32>], vector<16xf32>,
      %div3A_46 = arith.divf %get3A_13, %gather3A_45 : vector<16xf32>
      %add3A_47 = arith.addf %add3A_40, %div3A_46 : vector<16xf32>
      %add3A_48 = arith.constant 1280 : i32
      %add3A_49 = arith.addi %add3A_48, %mul3A_12 : i32
      %get3A_50 = arith.index_cast %add3A_49 : i32 to index
      %get3A_51 = tpu.vector_load %arg8[%get3A_50] {strides = array<i32>} : memref<8192xi32, #tpu.memory_space<vmem>>, vector<16xi32>,
      %gather3A_52 = tpu.vector_load_idx %arg6[%get3A_51] : memref<8192xf32, #tpu.memory_space<vmem>>[vector<16xi32>], vector<16xf32>,
      %div3A_53 = arith.divf %get3A_13, %gather3A_52 : vector<16xf32>
      %add3A_54 = arith.addf %add3A_47, %div3A_53 : vector<16xf32>
      %add3A_55 = arith.constant 1536 : i32
      %add3A_56 = arith.addi %add3A_55, %mul3A_12 : i32
      %get3A_57 = arith.index_cast %add3A_56 : i32 to index
      %get3A_58 = tpu.vector_load %arg8[%get3A_57] {strides = array<i32>} : memref<8192xi32, #tpu.memory_space<vmem>>, vector<16xi32>,
      %gather3A_59 = tpu.vector_load_idx %arg6[%get3A_58] : memref<8192xf32, #tpu.memory_space<vmem>>[vector<16xi32>], vector<16xf32>,
      %div3A_60 = arith.divf %get3A_13, %gather3A_59 : vector<16xf32>
      %add3A_61 = arith.addf %add3A_54, %div3A_60 : vector<16xf32>
      %add3A_62 = arith.constant 1792 : i32
      %add3A_63 = arith.addi %add3A_62, %mul3A_12 : i32
      %get3A_64 = arith.index_cast %add3A_63 : i32 to index
      %get3A_65 = tpu.vector_load %arg8[%get3A_64] {strides = array<i32>} : memref<8192xi32, #tpu.memory_space<vmem>>, vector<16xi32>,
      %gather3A_66 = tpu.vector_load_idx %arg6[%get3A_65] : memref<8192xf32, #tpu.memory_space<vmem>>[vector<16xi32>], vector<16xf32>,
      %div3A_67 = arith.divf %get3A_13, %gather3A_66 : vector<16xf32>
      %add3A_68 = arith.addf %add3A_61, %div3A_67 : vector<16xf32>
      %add3A_69 = arith.constant 2048 : i32
      %add3A_70 = arith.addi %add3A_69, %mul3A_12 : i32
      %get3A_71 = arith.index_cast %add3A_70 : i32 to index
      %get3A_72 = tpu.vector_load %arg8[%get3A_71] {strides = array<i32>} : memref<8192xi32, #tpu.memory_space<vmem>>, vector<16xi32>,
      %gather3A_73 = tpu.vector_load_idx %arg6[%get3A_72] : memref<8192xf32, #tpu.memory_space<vmem>>[vector<16xi32>], vector<16xf32>,
      %div3A_74 = arith.divf %get3A_13, %gather3A_73 : vector<16xf32>
      %add3A_75 = arith.addf %add3A_68, %div3A_74 : vector<16xf32>
      %add3A_76 = arith.constant 2304 : i32
      %add3A_77 = arith.addi %add3A_76, %mul3A_12 : i32
      %get3A_78 = arith.index_cast %add3A_77 : i32 to index
      %get3A_79 = tpu.vector_load %arg8[%get3A_78] {strides = array<i32>} : memref<8192xi32, #tpu.memory_space<vmem>>, vector<16xi32>,
      %gather3A_80 = tpu.vector_load_idx %arg6[%get3A_79] : memref<8192xf32, #tpu.memory_space<vmem>>[vector<16xi32>], vector<16xf32>,
      %div3A_81 = arith.divf %get3A_13, %gather3A_80 : vector<16xf32>
      %add3A_82 = arith.addf %add3A_75, %div3A_81 : vector<16xf32>
      %add3A_83 = arith.constant 2560 : i32
      %add3A_84 = arith.addi %add3A_83, %mul3A_12 : i32
      %get3A_85 = arith.index_cast %add3A_84 : i32 to index
      %get3A_86 = tpu.vector_load %arg8[%get3A_85] {strides = array<i32>} : memref<8192xi32, #tpu.memory_space<vmem>>, vector<16xi32>,
      %gather3A_87 = tpu.vector_load_idx %arg6[%get3A_86] : memref<8192xf32, #tpu.memory_space<vmem>>[vector<16xi32>], vector<16xf32>,
      %div3A_88 = arith.divf %get3A_13, %gather3A_87 : vector<16xf32>
      %add3A_89 = arith.addf %add3A_82, %div3A_88 : vector<16xf32>
      %add3A_90 = arith.constant 2816 : i32
      %add3A_91 = arith.addi %add3A_90, %mul3A_12 : i32
      %get3A_92 = arith.index_cast %add3A_91 : i32 to index
      %get3A_93 = tpu.vector_load %arg8[%get3A_92] {strides = array<i32>} : memref<8192xi32, #tpu.memory_space<vmem>>, vector<16xi32>,
      %gather3A_94 = tpu.vector_load_idx %arg6[%get3A_93] : memref<8192xf32, #tpu.memory_space<vmem>>[vector<16xi32>], vector<16xf32>,
      %div3A_95 = arith.divf %get3A_13, %gather3A_94 : vector<16xf32>
      %add3A_96 = arith.addf %add3A_89, %div3A_95 : vector<16xf32>
      %add3A_97 = arith.constant 3072 : i32
      %add3A_98 = arith.addi %add3A_97, %mul3A_12 : i32
      %get3A_99 = arith.index_cast %add3A_98 : i32 to index
      %get3A_100 = tpu.vector_load %arg8[%get3A_99] {strides = array<i32>} : memref<8192xi32, #tpu.memory_space<vmem>>, vector<16xi32>,
      %gather3A_101 = tpu.vector_load_idx %arg6[%get3A_100] : memref<8192xf32, #tpu.memory_space<vmem>>[vector<16xi32>], vector<16xf32>,
      %div3A_102 = arith.divf %get3A_13, %gather3A_101 : vector<16xf32>
      %add3A_103 = arith.addf %add3A_96, %div3A_102 : vector<16xf32>
      %add3A_104 = arith.constant 3328 : i32
      %add3A_105 = arith.addi %add3A_104, %mul3A_12 : i32
      %get3A_106 = arith.index_cast %add3A_105 : i32 to index
      %get3A_107 = tpu.vector_load %arg8[%get3A_106] {strides = array<i32>} : memref<8192xi32, #tpu.memory_space<vmem>>, vector<16xi32>,
      %gather3A_108 = tpu.vector_load_idx %arg6[%get3A_107] : memref<8192xf32, #tpu.memory_space<vmem>>[vector<16xi32>], vector<16xf32>,
      %div3A_109 = arith.divf %get3A_13, %gather3A_108 : vector<16xf32>
      %add3A_110 = arith.addf %add3A_103, %div3A_109 : vector<16xf32>
      %add3A_111 = arith.constant 3584 : i32
      %add3A_112 = arith.addi %add3A_111, %mul3A_12 : i32
      %get3A_113 = arith.index_cast %add3A_112 : i32 to index
      %get3A_114 = tpu.vector_load %arg8[%get3A_113] {strides = array<i32>} : memref<8192xi32, #tpu.memory_space<vmem>>, vector<16xi32>,
      %gather3A_115 = tpu.vector_load_idx %arg6[%get3A_114] : memref<8192xf32, #tpu.memory_space<vmem>>[vector<16xi32>], vector<16xf32>,
      %div3A_116 = arith.divf %get3A_13, %gather3A_115 : vector<16xf32>
      %add3A_117 = arith.addf %add3A_110, %div3A_116 : vector<16xf32>
      %add3A_118 = arith.constant 3840 : i32
      %add3A_119 = arith.addi %add3A_118, %mul3A_12 : i32
      %get3A_120 = arith.index_cast %add3A_119 : i32 to index
      %get3A_121 = tpu.vector_load %arg8[%get3A_120] {strides = array<i32>} : memref<8192xi32, #tpu.memory_space<vmem>>, vector<16xi32>,
      %gather3A_122 = tpu.vector_load_idx %arg6[%get3A_121] : memref<8192xf32, #tpu.memory_space<vmem>>[vector<16xi32>], vector<16xf32>,
      %div3A_123 = arith.divf %get3A_13, %gather3A_122 : vector<16xf32>
      %add3A_124 = arith.addf %add3A_117, %div3A_123 : vector<16xf32>
      %add3A_125 = arith.constant 4096 : i32
      %add3A_126 = arith.addi %add3A_125, %mul3A_12 : i32
      %get3A_127 = arith.index_cast %add3A_126 : i32 to index
      %get3A_128 = tpu.vector_load %arg8[%get3A_127] {strides = array<i32>} : memref<8192xi32, #tpu.memory_space<vmem>>, vector<16xi32>,
      %gather3A_129 = tpu.vector_load_idx %arg6[%get3A_128] : memref<8192xf32, #tpu.memory_space<vmem>>[vector<16xi32>], vector<16xf32>,
      %div3A_130 = arith.divf %get3A_13, %gather3A_129 : vector<16xf32>
      %add3A_131 = arith.addf %add3A_124, %div3A_130 : vector<16xf32>
      %add3A_132 = arith.constant 4352 : i32
      %add3A_133 = arith.addi %add3A_132, %mul3A_12 : i32
      %get3A_134 = arith.index_cast %add3A_133 : i32 to index
      %get3A_135 = tpu.vector_load %arg8[%get3A_134] {strides = array<i32>} : memref<8192xi32, #tpu.memory_space<vmem>>, vector<16xi32>,
      %gather3A_136 = tpu.vector_load_idx %arg6[%get3A_135] : memref<8192xf32, #tpu.memory_space<vmem>>[vector<16xi32>], vector<16xf32>,
      %div3A_137 = arith.divf %get3A_13, %gather3A_136 : vector<16xf32>
      %add3A_138 = arith.addf %add3A_131, %div3A_137 : vector<16xf32>
      %add3A_139 = arith.constant 4608 : i32
      %add3A_140 = arith.addi %add3A_139, %mul3A_12 : i32
      %get3A_141 = arith.index_cast %add3A_140 : i32 to index
      %get3A_142 = tpu.vector_load %arg8[%get3A_141] {strides = array<i32>} : memref<8192xi32, #tpu.memory_space<vmem>>, vector<16xi32>,
      %gather3A_143 = tpu.vector_load_idx %arg6[%get3A_142] : memref<8192xf32, #tpu.memory_space<vmem>>[vector<16xi32>], vector<16xf32>,
      %div3A_144 = arith.divf %get3A_13, %gather3A_143 : vector<16xf32>
      %add3A_145 = arith.addf %add3A_138, %div3A_144 : vector<16xf32>
      %add3A_146 = arith.constant 4864 : i32
      %add3A_147 = arith.addi %add3A_146, %mul3A_12 : i32
      %get3A_148 = arith.index_cast %add3A_147 : i32 to index
      %get3A_149 = tpu.vector_load %arg8[%get3A_148] {strides = array<i32>} : memref<8192xi32, #tpu.memory_space<vmem>>, vector<16xi32>,
      %gather3A_150 = tpu.vector_load_idx %arg6[%get3A_149] : memref<8192xf32, #tpu.memory_space<vmem>>[vector<16xi32>], vector<16xf32>,
      %div3A_151 = arith.divf %get3A_13, %gather3A_150 : vector<16xf32>
      %add3A_152 = arith.addf %add3A_145, %div3A_151 : vector<16xf32>
      %add3A_153 = arith.constant 5120 : i32
      %add3A_154 = arith.addi %add3A_153, %mul3A_12 : i32
      %get3A_155 = arith.index_cast %add3A_154 : i32 to index
      %get3A_156 = tpu.vector_load %arg8[%get3A_155] {strides = array<i32>} : memref<8192xi32, #tpu.memory_space<vmem>>, vector<16xi32>,
      %gather3A_157 = tpu.vector_load_idx %arg6[%get3A_156] : memref<8192xf32, #tpu.memory_space<vmem>>[vector<16xi32>], vector<16xf32>,
      %div3A_158 = arith.divf %get3A_13, %gather3A_157 : vector<16xf32>
      %add3A_159 = arith.addf %add3A_152, %div3A_158 : vector<16xf32>
      %add3A_160 = arith.constant 5376 : i32
      %add3A_161 = arith.addi %add3A_160, %mul3A_12 : i32
      %get3A_162 = arith.index_cast %add3A_161 : i32 to index
      %get3A_163 = tpu.vector_load %arg8[%get3A_162] {strides = array<i32>} : memref<8192xi32, #tpu.memory_space<vmem>>, vector<16xi32>,
      %gather3A_164 = tpu.vector_load_idx %arg6[%get3A_163] : memref<8192xf32, #tpu.memory_space<vmem>>[vector<16xi32>], vector<16xf32>,
      %div3A_165 = arith.divf %get3A_13, %gather3A_164 : vector<16xf32>
      %add3A_166 = arith.addf %add3A_159, %div3A_165 : vector<16xf32>
      %add3A_167 = arith.constant 5632 : i32
      %add3A_168 = arith.addi %add3A_167, %mul3A_12 : i32
      %get3A_169 = arith.index_cast %add3A_168 : i32 to index
      %get3A_170 = tpu.vector_load %arg8[%get3A_169] {strides = array<i32>} : memref<8192xi32, #tpu.memory_space<vmem>>, vector<16xi32>,
      %gather3A_171 = tpu.vector_load_idx %arg6[%get3A_170] : memref<8192xf32, #tpu.memory_space<vmem>>[vector<16xi32>], vector<16xf32>,
      %div3A_172 = arith.divf %get3A_13, %gather3A_171 : vector<16xf32>
      %add3A_173 = arith.addf %add3A_166, %div3A_172 : vector<16xf32>
      %add3A_174 = arith.constant 5888 : i32
      %add3A_175 = arith.addi %add3A_174, %mul3A_12 : i32
      %get3A_176 = arith.index_cast %add3A_175 : i32 to index
      %get3A_177 = tpu.vector_load %arg8[%get3A_176] {strides = array<i32>} : memref<8192xi32, #tpu.memory_space<vmem>>, vector<16xi32>,
      %gather3A_178 = tpu.vector_load_idx %arg6[%get3A_177] : memref<8192xf32, #tpu.memory_space<vmem>>[vector<16xi32>], vector<16xf32>,
      %div3A_179 = arith.divf %get3A_13, %gather3A_178 : vector<16xf32>
      %add3A_180 = arith.addf %add3A_173, %div3A_179 : vector<16xf32>
      %add3A_181 = arith.constant 6144 : i32
      %add3A_182 = arith.addi %add3A_181, %mul3A_12 : i32
      %get3A_183 = arith.index_cast %add3A_182 : i32 to index
      %get3A_184 = tpu.vector_load %arg8[%get3A_183] {strides = array<i32>} : memref<8192xi32, #tpu.memory_space<vmem>>, vector<16xi32>,
      %gather3A_185 = tpu.vector_load_idx %arg6[%get3A_184] : memref<8192xf32, #tpu.memory_space<vmem>>[vector<16xi32>], vector<16xf32>,
      %div3A_186 = arith.divf %get3A_13, %gather3A_185 : vector<16xf32>
      %add3A_187 = arith.addf %add3A_180, %div3A_186 : vector<16xf32>
      %add3A_188 = arith.constant 6400 : i32
      %add3A_189 = arith.addi %add3A_188, %mul3A_12 : i32
      %get3A_190 = arith.index_cast %add3A_189 : i32 to index
      %get3A_191 = tpu.vector_load %arg8[%get3A_190] {strides = array<i32>} : memref<8192xi32, #tpu.memory_space<vmem>>, vector<16xi32>,
      %gather3A_192 = tpu.vector_load_idx %arg6[%get3A_191] : memref<8192xf32, #tpu.memory_space<vmem>>[vector<16xi32>], vector<16xf32>,
      %div3A_193 = arith.divf %get3A_13, %gather3A_192 : vector<16xf32>
      %add3A_194 = arith.addf %add3A_187, %div3A_193 : vector<16xf32>
      %add3A_195 = arith.constant 6656 : i32
      %add3A_196 = arith.addi %add3A_195, %mul3A_12 : i32
      %get3A_197 = arith.index_cast %add3A_196 : i32 to index
      %get3A_198 = tpu.vector_load %arg8[%get3A_197] {strides = array<i32>} : memref<8192xi32, #tpu.memory_space<vmem>>, vector<16xi32>,
      %gather3A_199 = tpu.vector_load_idx %arg6[%get3A_198] : memref<8192xf32, #tpu.memory_space<vmem>>[vector<16xi32>], vector<16xf32>,
      %div3A_200 = arith.divf %get3A_13, %gather3A_199 : vector<16xf32>
      %add3A_201 = arith.addf %add3A_194, %div3A_200 : vector<16xf32>
      %add3A_202 = arith.constant 6912 : i32
      %add3A_203 = arith.addi %add3A_202, %mul3A_12 : i32
      %get3A_204 = arith.index_cast %add3A_203 : i32 to index
      %get3A_205 = tpu.vector_load %arg8[%get3A_204] {strides = array<i32>} : memref<8192xi32, #tpu.memory_space<vmem>>, vector<16xi32>,
      %gather3A_206 = tpu.vector_load_idx %arg6[%get3A_205] : memref<8192xf32, #tpu.memory_space<vmem>>[vector<16xi32>], vector<16xf32>,
      %div3A_207 = arith.divf %get3A_13, %gather3A_206 : vector<16xf32>
      %add3A_208 = arith.addf %add3A_201, %div3A_207 : vector<16xf32>
      %add3A_209 = arith.constant 7168 : i32
      %add3A_210 = arith.addi %add3A_209, %mul3A_12 : i32
      %get3A_211 = arith.index_cast %add3A_210 : i32 to index
      %get3A_212 = tpu.vector_load %arg8[%get3A_211] {strides = array<i32>} : memref<8192xi32, #tpu.memory_space<vmem>>, vector<16xi32>,
      %gather3A_213 = tpu.vector_load_idx %arg6[%get3A_212] : memref<8192xf32, #tpu.memory_space<vmem>>[vector<16xi32>], vector<16xf32>,
      %div3A_214 = arith.divf %get3A_13, %gather3A_213 : vector<16xf32>
      %add3A_215 = arith.addf %add3A_208, %div3A_214 : vector<16xf32>
      %add3A_216 = arith.constant 7424 : i32
      %add3A_217 = arith.addi %add3A_216, %mul3A_12 : i32
      %get3A_218 = arith.index_cast %add3A_217 : i32 to index
      %get3A_219 = tpu.vector_load %arg8[%get3A_218] {strides = array<i32>} : memref<8192xi32, #tpu.memory_space<vmem>>, vector<16xi32>,
      %gather3A_220 = tpu.vector_load_idx %arg6[%get3A_219] : memref<8192xf32, #tpu.memory_space<vmem>>[vector<16xi32>], vector<16xf32>,
      %div3A_221 = arith.divf %get3A_13, %gather3A_220 : vector<16xf32>
      %add3A_222 = arith.addf %add3A_215, %div3A_221 : vector<16xf32>
      %add3A_223 = arith.constant 7680 : i32
      %add3A_224 = arith.addi %add3A_223, %mul3A_12 : i32
      %get3A_225 = arith.index_cast %add3A_224 : i32 to index
      %get3A_226 = tpu.vector_load %arg8[%get3A_225] {strides = array<i32>} : memref<8192xi32, #tpu.memory_space<vmem>>, vector<16xi32>,
      %gather3A_227 = tpu.vector_load_idx %arg6[%get3A_226] : memref<8192xf32, #tpu.memory_space<vmem>>[vector<16xi32>], vector<16xf32>,
      %div3A_228 = arith.divf %get3A_13, %gather3A_227 : vector<16xf32>
      %add3A_229 = arith.addf %add3A_222, %div3A_228 : vector<16xf32>
      %add3A_230 = arith.constant 7936 : i32
      %add3A_231 = arith.addi %add3A_230, %mul3A_12 : i32
      %get3A_232 = arith.index_cast %add3A_231 : i32 to index
      %get3A_233 = tpu.vector_load %arg8[%get3A_232] {strides = array<i32>} : memref<8192xi32, #tpu.memory_space<vmem>>, vector<16xi32>,
      %gather3A_234 = tpu.vector_load_idx %arg6[%get3A_233] : memref<8192xf32, #tpu.memory_space<vmem>>[vector<16xi32>], vector<16xf32>,
      %div3A_235 = arith.divf %get3A_13, %gather3A_234 : vector<16xf32>
      %add3A_236 = arith.addf %add3A_229, %div3A_235 : vector<16xf32>
      %mul3A_237 = arith.constant 3.125000e-02 : f32
      %mul3A_238 = vector.broadcast %mul3A_237 : f32 to vector<16xf32>
      %mul3A_239 = arith.mulf %add3A_236, %mul3A_238 : vector<16xf32>
      %ne3A = arith.cmpf one, %mul3A_239, %mul3A_239 : vector<16xf32>
      %jit3A = arith.constant 1.000000e+03 : f32
      %broadcast_in_dim3A_240 = vector.broadcast %jit3A : f32 to vector<16xf32>
      %select_n3A = arith.select %ne3A, %broadcast_in_dim3A_240, %mul3A_239 : vector<16xi1>, vector<16xf32>
      %eq3A = arith.constant 0x7F800000 : f32
      %eq3A_241 = vector.broadcast %eq3A : f32 to vector<16xf32>
      %eq3A_242 = arith.cmpf oeq, %select_n3A, %eq3A_241 : vector<16xf32>
      %jit3A_243 = arith.constant 1.000000e+03 : f32
      %broadcast_in_dim3A_244 = vector.broadcast %jit3A_243 : f32 to vector<16xf32>
      %select_n3A_245 = arith.select %eq3A_242, %broadcast_in_dim3A_244, %select_n3A : vector<16xi1>, vector<16xf32>
      %eq3A_246 = arith.constant 0xFF800000 : f32
      %eq3A_247 = vector.broadcast %eq3A_246 : f32 to vector<16xf32>
      %eq3A_248 = arith.cmpf oeq, %select_n3A_245, %eq3A_247 : vector<16xf32>
      %jit3A_249 = arith.constant 0.000000e+00 : f32
      %broadcast_in_dim3A_250 = vector.broadcast %jit3A_249 : f32 to vector<16xf32>
      %select_n3A_251 = arith.select %eq3A_248, %broadcast_in_dim3A_250, %select_n3A_245 : vector<16xi1>, vector<16xf32>
      %swap3A = arith.index_cast %mul3A_12 : i32 to index
      %swap3A_252 = tpu.vector_load %arg9[%swap3A] {strides = array<i32>} : memref<256xf32, #tpu.memory_space<vmem>>, vector<16xf32>,
      tpu.vector_store %arg9[%swap3A], %select_n3A_251 {strides = array<i32>} : memref<256xf32, #tpu.memory_space<vmem>>, vector<16xf32>,
      %scan3A_253 = arith.constant 0 : i32
      scf.yield %scan3A_253 : i32
    }
    %scan3A_8 = arith.constant 16 : i32
    "tpu.region"() ({
      %run_scoped3A = tpu.sem_alloc : memref<!tpu.dma_semaphore, #tpu.memory_space<semaphore_mem>>
      %dma_start3A = tpu.memref_slice %arg5[%mul3A_2] : memref<8192xf32, #tpu.memory_space<hbm>> -> memref<256xf32, #tpu.memory_space<hbm>>
      %dma_start3A_9 = tpu.memref_slice %arg5[%mul3A_2] : memref<8192xf32, #tpu.memory_space<hbm>> -> memref<256xf32, #tpu.memory_space<hbm>>
      tpu.enqueue_dma source(%arg9 : memref<256xf32, #tpu.memory_space<vmem>>) target(%dma_start3A_9 : memref<256xf32, #tpu.memory_space<hbm>>) target_semaphore(%run_scoped3A : memref<!tpu.dma_semaphore, #tpu.memory_space<semaphore_mem>>)
      %dma_wait3A = tpu.memref_slice %arg5[%mul3A_2] : memref<8192xf32, #tpu.memory_space<hbm>> -> memref<256xf32, #tpu.memory_space<hbm>>
      %dma_wait3A_10 = tpu.memref_slice %arg5[%mul3A_2] : memref<8192xf32, #tpu.memory_space<hbm>> -> memref<256xf32, #tpu.memory_space<hbm>>
      tpu.wait_dma2 semaphore(%run_scoped3A : memref<!tpu.dma_semaphore, #tpu.memory_space<semaphore_mem>>) src(%arg9 : memref<256xf32, #tpu.memory_space<vmem>>) dst(%dma_wait3A_10 : memref<256xf32, #tpu.memory_space<hbm>>)
      tpu.yield
    }) : () -> ()
    return
  }
}

module attributes {stable_mosaic.version = 14 : i64} {
  func.func @_proj_body(%arg0: i32, %arg1: memref<512x768xf32, #tpu.memory_space<vmem>>, %arg2: memref<768x256xf32, #tpu.memory_space<vmem>>, %arg3: memref<512x256xf32, #tpu.memory_space<vmem>>) attributes {dimension_semantics = [#tpu.dimension_semantics<arbitrary>], iteration_bounds = array<i64: 16>, scalar_prefetch = 0 : i64, scratch_operands = 0 : i64, tpu.core_type = #tpu.core_type<tc>, window_params = [{transform_indices = @transform_0, window_bounds = array<i64: 512, 768>}, {pipeline_mode = #tpu.pipeline_mode<synchronous>, transform_indices = @transform_1, window_bounds = array<i64: 768, 256>}, {transform_indices = @transform_2, window_bounds = array<i64: 512, 256>}]} {
    %get3A = arith.constant 0 : index
    %get3A_0 = arith.constant 0 : index
    %get3A_1 = vector.load %arg1[%get3A, %get3A_0] : memref<512x768xf32, #tpu.memory_space<vmem>>, vector<512x768xf32>
    %get3A_2 = arith.constant 0 : index
    %get3A_3 = arith.constant 0 : index
    %get3A_4 = vector.load %arg2[%get3A_2, %get3A_3] : memref<768x256xf32, #tpu.memory_space<vmem>>, vector<768x256xf32>
    %dot_general3A = arith.constant dense<0.000000e+00> : vector<512x256xf32>
    %dot_general3A_5 = tpu.matmul %get3A_1, %get3A_4, %dot_general3A {dimension_numbers = #tpu.dot_dimension_numbers<[1], [0], [0], [1], [0, 0, 1, 1], [], []>, precision = #tpu.contract_precision<fp32>, transpose_lhs_hint = false} : vector<512x768xf32>, vector<768x256xf32>, vector<512x256xf32> -> vector<512x256xf32>
    %swap3A = arith.constant 0 : index
    %swap3A_6 = arith.constant 0 : index
    %swap3A_7 = vector.load %arg3[%swap3A, %swap3A_6] : memref<512x256xf32, #tpu.memory_space<vmem>>, vector<512x256xf32>
    tpu.vector_store %arg3[%swap3A, %swap3A_6], %dot_general3A_5 {strides = array<i32>} : memref<512x256xf32, #tpu.memory_space<vmem>>, vector<512x256xf32>,
    return
  }
  func.func @transform_0(%arg0: i32) -> (i32, i32) {
    %c0_i32 = arith.constant 0 : i32
    %c0_i32_0 = arith.constant 0 : i32
    return %arg0, %c0_i32 : i32, i32
  }
  func.func @transform_1(%arg0: i32) -> (i32, i32) {
    %c0_i32 = arith.constant 0 : i32
    %c0_i32_0 = arith.constant 0 : i32
    %c0_i32_1 = arith.constant 0 : i32
    return %c0_i32, %c0_i32_0 : i32, i32
  }
  func.func @transform_2(%arg0: i32) -> (i32, i32) {
    %c0_i32 = arith.constant 0 : i32
    %c0_i32_0 = arith.constant 0 : i32
    return %arg0, %c0_i32 : i32, i32
  }
}

module attributes {stable_mosaic.version = 14 : i64} {
  func.func @_topk_body(%arg0: i32, %arg1: memref<256x256xbf16, #tpu.memory_space<vmem>>, %arg2: memref<8192x256xbf16, #tpu.memory_space<vmem>>, %arg3: memref<256x128xi32, #tpu.memory_space<vmem>>, %arg4: memref<256x128xf32, #tpu.memory_space<vmem>>, %arg5: memref<256x2048xi32, #tpu.memory_space<vmem>>, %arg6: memref<8x8192xf32, #tpu.memory_space<vmem>>, %arg7: memref<256x128xi32, #tpu.memory_space<vmem>>, %arg8: memref<256x1xf32, #tpu.memory_space<vmem>>) attributes {dimension_semantics = [#tpu.dimension_semantics<arbitrary>], iteration_bounds = array<i64: 32>, scalar_prefetch = 0 : i64, scratch_operands = 4 : i64, tpu.core_type = #tpu.core_type<tc>, window_params = [{transform_indices = @transform_0, window_bounds = array<i64: 256, 256>}, {pipeline_mode = #tpu.pipeline_mode<synchronous>, transform_indices = @transform_1, window_bounds = array<i64: 8192, 256>}, {transform_indices = @transform_2, window_bounds = array<i64: 256, 128>}, {transform_indices = @transform_3, window_bounds = array<i64: 256, 128>}]} {
    %eq3A = arith.constant 0 : i32
    %eq3A_0 = arith.cmpi eq, %arg0, %eq3A : i32
    %convert_element_type3A = arith.extui %eq3A_0 : i1 to i32
    %cond3A = arith.constant 0 : i32
    %cond3A_1 = arith.cmpi ne, %convert_element_type3A, %cond3A : i32
    scf.if %cond3A_1 {
      %get3A_589 = arith.constant 0 : index
      %get3A_590 = arith.constant 0 : index
      %get3A_591 = vector.load %arg2[%get3A_589, %get3A_590] : memref<8192x256xbf16, #tpu.memory_space<vmem>>, vector<8192x256xbf16>
      %convert_element_type3A_592 = arith.extf %get3A_591 : vector<8192x256xbf16> to vector<8192x256xf32>
      %mul3A_593 = arith.mulf %convert_element_type3A_592, %convert_element_type3A_592 : vector<8192x256xf32>
      %broadcast_in_dim3A_594 = arith.constant 1.000000e+00 : f32
      %broadcast_in_dim3A_595 = vector.broadcast %broadcast_in_dim3A_594 : f32 to vector<8x256xf32>
      %dot_general3A_596 = arith.constant dense<0.000000e+00> : vector<8x8192xf32>
      %dot_general3A_597 = tpu.matmul %broadcast_in_dim3A_595, %mul3A_593, %dot_general3A_596 {dimension_numbers = #tpu.dot_dimension_numbers<[1], [1], [0], [0], [0, 0, 1, 0], [], []>, precision = #tpu.contract_precision<fp32>, transpose_lhs_hint = false} : vector<8x256xf32>, vector<8192x256xf32>, vector<8x8192xf32> -> vector<8x8192xf32>
      %swap3A_598 = arith.constant 0 : index
      %swap3A_599 = arith.constant 0 : index
      %swap3A_600 = vector.load %arg6[%swap3A_598, %swap3A_599] : memref<8x8192xf32, #tpu.memory_space<vmem>>, vector<8x8192xf32>
      tpu.vector_store %arg6[%swap3A_598, %swap3A_599], %dot_general3A_597 {strides = array<i32>} : memref<8x8192xf32, #tpu.memory_space<vmem>>, vector<8x8192xf32>,
    } else {
    }
    %broadcast_in_dim3A = arith.constant 2147483647 : i32
    %broadcast_in_dim3A_2 = vector.broadcast %broadcast_in_dim3A : i32 to vector<256x2048xi32>
    %swap3A = arith.constant 0 : index
    %swap3A_3 = arith.constant 0 : index
    %swap3A_4 = vector.load %arg5[%swap3A, %swap3A_3] : memref<256x2048xi32, #tpu.memory_space<vmem>>, vector<256x2048xi32>
    tpu.vector_store %arg5[%swap3A, %swap3A_3], %broadcast_in_dim3A_2 {strides = array<i32>} : memref<256x2048xi32, #tpu.memory_space<vmem>>, vector<256x2048xi32>,
    %get3A = arith.constant 0 : index
    %get3A_5 = arith.constant 0 : index
    %get3A_6 = vector.load %arg1[%get3A, %get3A_5] : memref<256x256xbf16, #tpu.memory_space<vmem>>, vector<256x256xbf16>
    %convert_element_type3A_7 = arith.extf %get3A_6 : vector<256x256xbf16> to vector<256x256xf32>
    %mul3A = arith.mulf %convert_element_type3A_7, %convert_element_type3A_7 : vector<256x256xf32>
    %reduce_sum3A = arith.constant dense<0.000000e+00> : vector<256xf32>
    %reduce_sum3A_8 = vector.multi_reduction <add>, %mul3A, %reduce_sum3A [1] : vector<256x256xf32> to vector<256xf32>
    %broadcast_in_dim3A_9 = vector.shape_cast %reduce_sum3A_8 : vector<256xf32> to vector<256x1xf32>
    %iota3A = tpu.iota {dimensions = array<i32: 0>} : vector<256x2048xi32>
    %mul3A_10 = arith.constant 256 : i32
    %mul3A_11 = arith.muli %arg0, %mul3A_10 : i32
    %add3A = vector.broadcast %mul3A_11 : i32 to vector<256x2048xi32>
    %add3A_12 = arith.addi %iota3A, %add3A : vector<256x2048xi32>
    %iota3A_13 = tpu.iota {dimensions = array<i32: 1>} : vector<256x2048xi32>
    %get3A_14 = arith.constant 0 : index
    %get3A_15 = arith.constant 0 : index
    %get3A_16 = vector.load %arg2[%get3A_14, %get3A_15] : memref<8192x256xbf16, #tpu.memory_space<vmem>>, vector<2048x256xbf16>
    %dot_general3A = arith.constant dense<0.000000e+00> : vector<256x2048xf32>
    %dot_general3A_17 = tpu.matmul %get3A_6, %get3A_16, %dot_general3A {dimension_numbers = #tpu.dot_dimension_numbers<[1], [1], [0], [0], [0, 0, 1, 0], [], []>, transpose_lhs_hint = false} : vector<256x256xbf16>, vector<2048x256xbf16>, vector<256x2048xf32> -> vector<256x2048xf32>
    %get3A_18 = arith.constant 0 : index
    %get3A_19 = arith.constant 0 : index
    %get3A_20 = vector.load %arg6[%get3A_18, %get3A_19] : memref<8x8192xf32, #tpu.memory_space<vmem>>, vector<1x2048xf32>
    %add3A_21 = vector.broadcast %broadcast_in_dim3A_9 : vector<256x1xf32> to vector<256x2048xf32>
    %add3A_22 = vector.broadcast %get3A_20 : vector<1x2048xf32> to vector<256x2048xf32>
    %add3A_23 = arith.addf %add3A_21, %add3A_22 : vector<256x2048xf32>
    %mul3A_24 = arith.constant 2.000000e+00 : f32
    %mul3A_25 = vector.broadcast %mul3A_24 : f32 to vector<256x2048xf32>
    %mul3A_26 = arith.mulf %mul3A_25, %dot_general3A_17 : vector<256x2048xf32>
    %sub3A = arith.subf %add3A_23, %mul3A_26 : vector<256x2048xf32>
    %add3A_27 = arith.constant 0 : i32
    %add3A_28 = vector.broadcast %add3A_27 : i32 to vector<256x2048xi32>
    %add3A_29 = arith.addi %iota3A_13, %add3A_28 : vector<256x2048xi32>
    %eq3A_30 = arith.cmpi eq, %add3A_29, %add3A_12 : vector<256x2048xi32>
    %max3A = arith.constant 0.000000e+00 : f32
    %max3A_31 = vector.broadcast %max3A : f32 to vector<256x2048xf32>
    %max3A_32 = arith.maximumf %sub3A, %max3A_31 : vector<256x2048xf32>
    %bitcast_convert_type3A = tpu.bitcast %max3A_32 : vector<256x2048xf32> -> vector<256x2048xi32>
    %and3A = arith.constant -8192 : i32
    %and3A_33 = vector.broadcast %and3A : i32 to vector<256x2048xi32>
    %and3A_34 = arith.andi %bitcast_convert_type3A, %and3A_33 : vector<256x2048xi32>
    %or3A = arith.ori %and3A_34, %add3A_29 : vector<256x2048xi32>
    %jit3A = arith.constant 2147483647 : i32
    %broadcast_in_dim3A_35 = vector.broadcast %jit3A : i32 to vector<256x2048xi32>
    %select_n3A = arith.select %eq3A_30, %broadcast_in_dim3A_35, %or3A : vector<256x2048xi1>, vector<256x2048xi32>
    %jit3A_36 = arith.constant 8 : i32
    %div3A = arith.divsi %arg0, %jit3A_36 : i32
    %sign3A = arith.constant 0 : i32
    %sign3A_37 = arith.cmpi sgt, %arg0, %sign3A : i32
    %sign3A_38 = arith.extui %sign3A_37 : i1 to i32
    %sign3A_39 = arith.constant 0 : i32
    %sign3A_40 = arith.cmpi slt, %arg0, %sign3A_39 : i32
    %sign3A_41 = arith.extui %sign3A_40 : i1 to i32
    %sign3A_42 = arith.subi %sign3A_38, %sign3A_41 : i32
    %sign3A_43 = arith.constant 0 : i32
    %sign3A_44 = arith.cmpi sgt, %jit3A_36, %sign3A_43 : i32
    %sign3A_45 = arith.extui %sign3A_44 : i1 to i32
    %sign3A_46 = arith.constant 0 : i32
    %sign3A_47 = arith.cmpi slt, %jit3A_36, %sign3A_46 : i32
    %sign3A_48 = arith.extui %sign3A_47 : i1 to i32
    %sign3A_49 = arith.subi %sign3A_45, %sign3A_48 : i32
    %ne3A = arith.cmpi ne, %sign3A_42, %sign3A_49 : i32
    %rem3A = arith.remsi %arg0, %jit3A_36 : i32
    %ne3A_50 = arith.constant 0 : i32
    %ne3A_51 = arith.cmpi ne, %rem3A, %ne3A_50 : i32
    %and3A_52 = arith.andi %ne3A, %ne3A_51 : i1
    %sub3A_53 = arith.constant 1 : i32
    %sub3A_54 = arith.subi %div3A, %sub3A_53 : i32
    %select_n3A_55 = arith.select %and3A_52, %sub3A_54, %div3A : i32
    %eq3A_56 = arith.constant 0 : i32
    %eq3A_57 = arith.cmpi eq, %select_n3A_55, %eq3A_56 : i32
    %convert_element_type3A_58 = arith.extui %eq3A_57 : i1 to i32
    %cond3A_59 = arith.constant 0 : i32
    %cond3A_60 = arith.cmpi ne, %convert_element_type3A_58, %cond3A_59 : i32
    scf.if %cond3A_60 {
      %jit3A_589 = arith.constant 0.000000e+00 : f32
      %broadcast_in_dim3A_590 = vector.broadcast %jit3A_589 : f32 to vector<256x2048xf32>
      %select_n3A_591 = arith.select %eq3A_30, %sub3A, %broadcast_in_dim3A_590 : vector<256x2048xi1>, vector<256x2048xf32>
      %reduce_sum3A_592 = arith.constant dense<0.000000e+00> : vector<256xf32>
      %reduce_sum3A_593 = vector.multi_reduction <add>, %select_n3A_591, %reduce_sum3A_592 [1] : vector<256x2048xf32> to vector<256xf32>
      %broadcast_in_dim3A_594 = vector.shape_cast %reduce_sum3A_593 : vector<256xf32> to vector<256x1xf32>
      %swap3A_595 = arith.constant 0 : index
      %swap3A_596 = arith.constant 0 : index
      %swap3A_597 = vector.load %arg8[%swap3A_595, %swap3A_596] : memref<256x1xf32, #tpu.memory_space<vmem>>, vector<256x1xf32>
      tpu.vector_store %arg8[%swap3A_595, %swap3A_596], %broadcast_in_dim3A_594 {strides = array<i32>} : memref<256x1xf32, #tpu.memory_space<vmem>>, vector<256x1xf32>,
    } else {
    }
    %slice3A = vector.extract_strided_slice %select_n3A {offsets = [0, 0], sizes = [256, 512], strides = [1, 1]} : vector<256x2048xi32> to vector<256x512xi32>
    %slice3A_61 = vector.extract_strided_slice %select_n3A {offsets = [0, 512], sizes = [256, 512], strides = [1, 1]} : vector<256x2048xi32> to vector<256x512xi32>
    %slice3A_62 = vector.extract_strided_slice %select_n3A {offsets = [0, 1024], sizes = [256, 512], strides = [1, 1]} : vector<256x2048xi32> to vector<256x512xi32>
    %slice3A_63 = vector.extract_strided_slice %select_n3A {offsets = [0, 1536], sizes = [256, 512], strides = [1, 1]} : vector<256x2048xi32> to vector<256x512xi32>
    %min3A = arith.minsi %slice3A, %slice3A_61 : vector<256x512xi32>
    %max3A_64 = arith.maxsi %slice3A, %slice3A_61 : vector<256x512xi32>
    %min3A_65 = arith.minsi %slice3A_62, %slice3A_63 : vector<256x512xi32>
    %max3A_66 = arith.maxsi %slice3A_62, %slice3A_63 : vector<256x512xi32>
    %min3A_67 = arith.minsi %min3A, %min3A_65 : vector<256x512xi32>
    %max3A_68 = arith.maxsi %min3A, %min3A_65 : vector<256x512xi32>
    %min3A_69 = arith.minsi %max3A_64, %max3A_66 : vector<256x512xi32>
    %max3A_70 = arith.maxsi %max3A_64, %max3A_66 : vector<256x512xi32>
    %min3A_71 = arith.minsi %min3A_69, %max3A_68 : vector<256x512xi32>
    %max3A_72 = arith.maxsi %min3A_69, %max3A_68 : vector<256x512xi32>
    %get3A_73 = arith.constant 0 : index
    %get3A_74 = arith.constant 0 : index
    %get3A_75 = vector.load %arg5[%get3A_73, %get3A_74] : memref<256x2048xi32, #tpu.memory_space<vmem>>, vector<256x512xi32>
    %get3A_76 = arith.constant 0 : index
    %get3A_77 = arith.constant 512 : index
    %get3A_78 = vector.load %arg5[%get3A_76, %get3A_77] : memref<256x2048xi32, #tpu.memory_space<vmem>>, vector<256x512xi32>
    %get3A_79 = arith.constant 0 : index
    %get3A_80 = arith.constant 1024 : index
    %get3A_81 = vector.load %arg5[%get3A_79, %get3A_80] : memref<256x2048xi32, #tpu.memory_space<vmem>>, vector<256x512xi32>
    %get3A_82 = arith.constant 0 : index
    %get3A_83 = arith.constant 1536 : index
    %get3A_84 = vector.load %arg5[%get3A_82, %get3A_83] : memref<256x2048xi32, #tpu.memory_space<vmem>>, vector<256x512xi32>
    %min3A_85 = arith.minsi %get3A_75, %max3A_70 : vector<256x512xi32>
    %min3A_86 = arith.minsi %get3A_78, %max3A_72 : vector<256x512xi32>
    %min3A_87 = arith.minsi %get3A_81, %min3A_71 : vector<256x512xi32>
    %min3A_88 = arith.minsi %get3A_84, %min3A_67 : vector<256x512xi32>
    %min3A_89 = arith.minsi %min3A_85, %min3A_87 : vector<256x512xi32>
    %max3A_90 = arith.maxsi %min3A_85, %min3A_87 : vector<256x512xi32>
    %min3A_91 = arith.minsi %min3A_86, %min3A_88 : vector<256x512xi32>
    %max3A_92 = arith.maxsi %min3A_86, %min3A_88 : vector<256x512xi32>
    %min3A_93 = arith.minsi %min3A_89, %min3A_91 : vector<256x512xi32>
    %max3A_94 = arith.maxsi %min3A_89, %min3A_91 : vector<256x512xi32>
    %min3A_95 = arith.minsi %max3A_90, %max3A_92 : vector<256x512xi32>
    %max3A_96 = arith.maxsi %max3A_90, %max3A_92 : vector<256x512xi32>
    %swap3A_97 = arith.constant 0 : index
    %swap3A_98 = arith.constant 0 : index
    %swap3A_99 = vector.load %arg5[%swap3A_97, %swap3A_98] : memref<256x2048xi32, #tpu.memory_space<vmem>>, vector<256x512xi32>
    tpu.vector_store %arg5[%swap3A_97, %swap3A_98], %min3A_93 {strides = array<i32>} : memref<256x2048xi32, #tpu.memory_space<vmem>>, vector<256x512xi32>,
    %swap3A_100 = arith.constant 0 : index
    %swap3A_101 = arith.constant 512 : index
    %swap3A_102 = vector.load %arg5[%swap3A_100, %swap3A_101] : memref<256x2048xi32, #tpu.memory_space<vmem>>, vector<256x512xi32>
    tpu.vector_store %arg5[%swap3A_100, %swap3A_101], %max3A_94 {strides = array<i32>} : memref<256x2048xi32, #tpu.memory_space<vmem>>, vector<256x512xi32>,
    %swap3A_103 = arith.constant 0 : index
    %swap3A_104 = arith.constant 1024 : index
    %swap3A_105 = vector.load %arg5[%swap3A_103, %swap3A_104] : memref<256x2048xi32, #tpu.memory_space<vmem>>, vector<256x512xi32>
    tpu.vector_store %arg5[%swap3A_103, %swap3A_104], %min3A_95 {strides = array<i32>} : memref<256x2048xi32, #tpu.memory_space<vmem>>, vector<256x512xi32>,
    %swap3A_106 = arith.constant 0 : index
    %swap3A_107 = arith.constant 1536 : index
    %swap3A_108 = vector.load %arg5[%swap3A_106, %swap3A_107] : memref<256x2048xi32, #tpu.memory_space<vmem>>, vector<256x512xi32>
    tpu.vector_store %arg5[%swap3A_106, %swap3A_107], %max3A_96 {strides = array<i32>} : memref<256x2048xi32, #tpu.memory_space<vmem>>, vector<256x512xi32>,
    %get3A_109 = arith.constant 2048 : index
    %get3A_110 = arith.constant 0 : index
    %get3A_111 = vector.load %arg2[%get3A_109, %get3A_110] : memref<8192x256xbf16, #tpu.memory_space<vmem>>, vector<2048x256xbf16>
    %dot_general3A_112 = arith.constant dense<0.000000e+00> : vector<256x2048xf32>
    %dot_general3A_113 = tpu.matmul %get3A_6, %get3A_111, %dot_general3A_112 {dimension_numbers = #tpu.dot_dimension_numbers<[1], [1], [0], [0], [0, 0, 1, 0], [], []>, transpose_lhs_hint = false} : vector<256x256xbf16>, vector<2048x256xbf16>, vector<256x2048xf32> -> vector<256x2048xf32>
    %get3A_114 = arith.constant 0 : index
    %get3A_115 = arith.constant 2048 : index
    %get3A_116 = vector.load %arg6[%get3A_114, %get3A_115] : memref<8x8192xf32, #tpu.memory_space<vmem>>, vector<1x2048xf32>
    %add3A_117 = vector.broadcast %broadcast_in_dim3A_9 : vector<256x1xf32> to vector<256x2048xf32>
    %add3A_118 = vector.broadcast %get3A_116 : vector<1x2048xf32> to vector<256x2048xf32>
    %add3A_119 = arith.addf %add3A_117, %add3A_118 : vector<256x2048xf32>
    %mul3A_120 = arith.constant 2.000000e+00 : f32
    %mul3A_121 = vector.broadcast %mul3A_120 : f32 to vector<256x2048xf32>
    %mul3A_122 = arith.mulf %mul3A_121, %dot_general3A_113 : vector<256x2048xf32>
    %sub3A_123 = arith.subf %add3A_119, %mul3A_122 : vector<256x2048xf32>
    %add3A_124 = arith.constant 2048 : i32
    %add3A_125 = vector.broadcast %add3A_124 : i32 to vector<256x2048xi32>
    %add3A_126 = arith.addi %iota3A_13, %add3A_125 : vector<256x2048xi32>
    %eq3A_127 = arith.cmpi eq, %add3A_126, %add3A_12 : vector<256x2048xi32>
    %max3A_128 = arith.constant 0.000000e+00 : f32
    %max3A_129 = vector.broadcast %max3A_128 : f32 to vector<256x2048xf32>
    %max3A_130 = arith.maximumf %sub3A_123, %max3A_129 : vector<256x2048xf32>
    %bitcast_convert_type3A_131 = tpu.bitcast %max3A_130 : vector<256x2048xf32> -> vector<256x2048xi32>
    %and3A_132 = arith.constant -8192 : i32
    %and3A_133 = vector.broadcast %and3A_132 : i32 to vector<256x2048xi32>
    %and3A_134 = arith.andi %bitcast_convert_type3A_131, %and3A_133 : vector<256x2048xi32>
    %or3A_135 = arith.ori %and3A_134, %add3A_126 : vector<256x2048xi32>
    %jit3A_136 = arith.constant 2147483647 : i32
    %broadcast_in_dim3A_137 = vector.broadcast %jit3A_136 : i32 to vector<256x2048xi32>
    %select_n3A_138 = arith.select %eq3A_127, %broadcast_in_dim3A_137, %or3A_135 : vector<256x2048xi1>, vector<256x2048xi32>
    %jit3A_139 = arith.constant 8 : i32
    %div3A_140 = arith.divsi %arg0, %jit3A_139 : i32
    %sign3A_141 = arith.constant 0 : i32
    %sign3A_142 = arith.cmpi sgt, %arg0, %sign3A_141 : i32
    %sign3A_143 = arith.extui %sign3A_142 : i1 to i32
    %sign3A_144 = arith.constant 0 : i32
    %sign3A_145 = arith.cmpi slt, %arg0, %sign3A_144 : i32
    %sign3A_146 = arith.extui %sign3A_145 : i1 to i32
    %sign3A_147 = arith.subi %sign3A_143, %sign3A_146 : i32
    %sign3A_148 = arith.constant 0 : i32
    %sign3A_149 = arith.cmpi sgt, %jit3A_139, %sign3A_148 : i32
    %sign3A_150 = arith.extui %sign3A_149 : i1 to i32
    %sign3A_151 = arith.constant 0 : i32
    %sign3A_152 = arith.cmpi slt, %jit3A_139, %sign3A_151 : i32
    %sign3A_153 = arith.extui %sign3A_152 : i1 to i32
    %sign3A_154 = arith.subi %sign3A_150, %sign3A_153 : i32
    %ne3A_155 = arith.cmpi ne, %sign3A_147, %sign3A_154 : i32
    %rem3A_156 = arith.remsi %arg0, %jit3A_139 : i32
    %ne3A_157 = arith.constant 0 : i32
    %ne3A_158 = arith.cmpi ne, %rem3A_156, %ne3A_157 : i32
    %and3A_159 = arith.andi %ne3A_155, %ne3A_158 : i1
    %sub3A_160 = arith.constant 1 : i32
    %sub3A_161 = arith.subi %div3A_140, %sub3A_160 : i32
    %select_n3A_162 = arith.select %and3A_159, %sub3A_161, %div3A_140 : i32
    %eq3A_163 = arith.constant 1 : i32
    %eq3A_164 = arith.cmpi eq, %select_n3A_162, %eq3A_163 : i32
    %convert_element_type3A_165 = arith.extui %eq3A_164 : i1 to i32
    %cond3A_166 = arith.constant 0 : i32
    %cond3A_167 = arith.cmpi ne, %convert_element_type3A_165, %cond3A_166 : i32
    scf.if %cond3A_167 {
      %jit3A_589 = arith.constant 0.000000e+00 : f32
      %broadcast_in_dim3A_590 = vector.broadcast %jit3A_589 : f32 to vector<256x2048xf32>
      %select_n3A_591 = arith.select %eq3A_127, %sub3A_123, %broadcast_in_dim3A_590 : vector<256x2048xi1>, vector<256x2048xf32>
      %reduce_sum3A_592 = arith.constant dense<0.000000e+00> : vector<256xf32>
      %reduce_sum3A_593 = vector.multi_reduction <add>, %select_n3A_591, %reduce_sum3A_592 [1] : vector<256x2048xf32> to vector<256xf32>
      %broadcast_in_dim3A_594 = vector.shape_cast %reduce_sum3A_593 : vector<256xf32> to vector<256x1xf32>
      %swap3A_595 = arith.constant 0 : index
      %swap3A_596 = arith.constant 0 : index
      %swap3A_597 = vector.load %arg8[%swap3A_595, %swap3A_596] : memref<256x1xf32, #tpu.memory_space<vmem>>, vector<256x1xf32>
      tpu.vector_store %arg8[%swap3A_595, %swap3A_596], %broadcast_in_dim3A_594 {strides = array<i32>} : memref<256x1xf32, #tpu.memory_space<vmem>>, vector<256x1xf32>,
    } else {
    }
    %slice3A_168 = vector.extract_strided_slice %select_n3A_138 {offsets = [0, 0], sizes = [256, 512], strides = [1, 1]} : vector<256x2048xi32> to vector<256x512xi32>
    %slice3A_169 = vector.extract_strided_slice %select_n3A_138 {offsets = [0, 512], sizes = [256, 512], strides = [1, 1]} : vector<256x2048xi32> to vector<256x512xi32>
    %slice3A_170 = vector.extract_strided_slice %select_n3A_138 {offsets = [0, 1024], sizes = [256, 512], strides = [1, 1]} : vector<256x2048xi32> to vector<256x512xi32>
    %slice3A_171 = vector.extract_strided_slice %select_n3A_138 {offsets = [0, 1536], sizes = [256, 512], strides = [1, 1]} : vector<256x2048xi32> to vector<256x512xi32>
    %min3A_172 = arith.minsi %slice3A_168, %slice3A_169 : vector<256x512xi32>
    %max3A_173 = arith.maxsi %slice3A_168, %slice3A_169 : vector<256x512xi32>
    %min3A_174 = arith.minsi %slice3A_170, %slice3A_171 : vector<256x512xi32>
    %max3A_175 = arith.maxsi %slice3A_170, %slice3A_171 : vector<256x512xi32>
    %min3A_176 = arith.minsi %min3A_172, %min3A_174 : vector<256x512xi32>
    %max3A_177 = arith.maxsi %min3A_172, %min3A_174 : vector<256x512xi32>
    %min3A_178 = arith.minsi %max3A_173, %max3A_175 : vector<256x512xi32>
    %max3A_179 = arith.maxsi %max3A_173, %max3A_175 : vector<256x512xi32>
    %min3A_180 = arith.minsi %min3A_178, %max3A_177 : vector<256x512xi32>
    %max3A_181 = arith.maxsi %min3A_178, %max3A_177 : vector<256x512xi32>
    %get3A_182 = arith.constant 0 : index
    %get3A_183 = arith.constant 0 : index
    %get3A_184 = vector.load %arg5[%get3A_182, %get3A_183] : memref<256x2048xi32, #tpu.memory_space<vmem>>, vector<256x512xi32>
    %get3A_185 = arith.constant 0 : index
    %get3A_186 = arith.constant 512 : index
    %get3A_187 = vector.load %arg5[%get3A_185, %get3A_186] : memref<256x2048xi32, #tpu.memory_space<vmem>>, vector<256x512xi32>
    %get3A_188 = arith.constant 0 : index
    %get3A_189 = arith.constant 1024 : index
    %get3A_190 = vector.load %arg5[%get3A_188, %get3A_189] : memref<256x2048xi32, #tpu.memory_space<vmem>>, vector<256x512xi32>
    %get3A_191 = arith.constant 0 : index
    %get3A_192 = arith.constant 1536 : index
    %get3A_193 = vector.load %arg5[%get3A_191, %get3A_192] : memref<256x2048xi32, #tpu.memory_space<vmem>>, vector<256x512xi32>
    %min3A_194 = arith.minsi %get3A_184, %max3A_179 : vector<256x512xi32>
    %min3A_195 = arith.minsi %get3A_187, %max3A_181 : vector<256x512xi32>
    %min3A_196 = arith.minsi %get3A_190, %min3A_180 : vector<256x512xi32>
    %min3A_197 = arith.minsi %get3A_193, %min3A_176 : vector<256x512xi32>
    %min3A_198 = arith.minsi %min3A_194, %min3A_196 : vector<256x512xi32>
    %max3A_199 = arith.maxsi %min3A_194, %min3A_196 : vector<256x512xi32>
    %min3A_200 = arith.minsi %min3A_195, %min3A_197 : vector<256x512xi32>
    %max3A_201 = arith.maxsi %min3A_195, %min3A_197 : vector<256x512xi32>
    %min3A_202 = arith.minsi %min3A_198, %min3A_200 : vector<256x512xi32>
    %max3A_203 = arith.maxsi %min3A_198, %min3A_200 : vector<256x512xi32>
    %min3A_204 = arith.minsi %max3A_199, %max3A_201 : vector<256x512xi32>
    %max3A_205 = arith.maxsi %max3A_199, %max3A_201 : vector<256x512xi32>
    %swap3A_206 = arith.constant 0 : index
    %swap3A_207 = arith.constant 0 : index
    %swap3A_208 = vector.load %arg5[%swap3A_206, %swap3A_207] : memref<256x2048xi32, #tpu.memory_space<vmem>>, vector<256x512xi32>
    tpu.vector_store %arg5[%swap3A_206, %swap3A_207], %min3A_202 {strides = array<i32>} : memref<256x2048xi32, #tpu.memory_space<vmem>>, vector<256x512xi32>,
    %swap3A_209 = arith.constant 0 : index
    %swap3A_210 = arith.constant 512 : index
    %swap3A_211 = vector.load %arg5[%swap3A_209, %swap3A_210] : memref<256x2048xi32, #tpu.memory_space<vmem>>, vector<256x512xi32>
    tpu.vector_store %arg5[%swap3A_209, %swap3A_210], %max3A_203 {strides = array<i32>} : memref<256x2048xi32, #tpu.memory_space<vmem>>, vector<256x512xi32>,
    %swap3A_212 = arith.constant 0 : index
    %swap3A_213 = arith.constant 1024 : index
    %swap3A_214 = vector.load %arg5[%swap3A_212, %swap3A_213] : memref<256x2048xi32, #tpu.memory_space<vmem>>, vector<256x512xi32>
    tpu.vector_store %arg5[%swap3A_212, %swap3A_213], %min3A_204 {strides = array<i32>} : memref<256x2048xi32, #tpu.memory_space<vmem>>, vector<256x512xi32>,
    %swap3A_215 = arith.constant 0 : index
    %swap3A_216 = arith.constant 1536 : index
    %swap3A_217 = vector.load %arg5[%swap3A_215, %swap3A_216] : memref<256x2048xi32, #tpu.memory_space<vmem>>, vector<256x512xi32>
    tpu.vector_store %arg5[%swap3A_215, %swap3A_216], %max3A_205 {strides = array<i32>} : memref<256x2048xi32, #tpu.memory_space<vmem>>, vector<256x512xi32>,
    %get3A_218 = arith.constant 4096 : index
    %get3A_219 = arith.constant 0 : index
    %get3A_220 = vector.load %arg2[%get3A_218, %get3A_219] : memref<8192x256xbf16, #tpu.memory_space<vmem>>, vector<2048x256xbf16>
    %dot_general3A_221 = arith.constant dense<0.000000e+00> : vector<256x2048xf32>
    %dot_general3A_222 = tpu.matmul %get3A_6, %get3A_220, %dot_general3A_221 {dimension_numbers = #tpu.dot_dimension_numbers<[1], [1], [0], [0], [0, 0, 1, 0], [], []>, transpose_lhs_hint = false} : vector<256x256xbf16>, vector<2048x256xbf16>, vector<256x2048xf32> -> vector<256x2048xf32>
    %get3A_223 = arith.constant 0 : index
    %get3A_224 = arith.constant 4096 : index
    %get3A_225 = vector.load %arg6[%get3A_223, %get3A_224] : memref<8x8192xf32, #tpu.memory_space<vmem>>, vector<1x2048xf32>
    %add3A_226 = vector.broadcast %broadcast_in_dim3A_9 : vector<256x1xf32> to vector<256x2048xf32>
    %add3A_227 = vector.broadcast %get3A_225 : vector<1x2048xf32> to vector<256x2048xf32>
    %add3A_228 = arith.addf %add3A_226, %add3A_227 : vector<256x2048xf32>
    %mul3A_229 = arith.constant 2.000000e+00 : f32
    %mul3A_230 = vector.broadcast %mul3A_229 : f32 to vector<256x2048xf32>
    %mul3A_231 = arith.mulf %mul3A_230, %dot_general3A_222 : vector<256x2048xf32>
    %sub3A_232 = arith.subf %add3A_228, %mul3A_231 : vector<256x2048xf32>
    %add3A_233 = arith.constant 4096 : i32
    %add3A_234 = vector.broadcast %add3A_233 : i32 to vector<256x2048xi32>
    %add3A_235 = arith.addi %iota3A_13, %add3A_234 : vector<256x2048xi32>
    %eq3A_236 = arith.cmpi eq, %add3A_235, %add3A_12 : vector<256x2048xi32>
    %max3A_237 = arith.constant 0.000000e+00 : f32
    %max3A_238 = vector.broadcast %max3A_237 : f32 to vector<256x2048xf32>
    %max3A_239 = arith.maximumf %sub3A_232, %max3A_238 : vector<256x2048xf32>
    %bitcast_convert_type3A_240 = tpu.bitcast %max3A_239 : vector<256x2048xf32> -> vector<256x2048xi32>
    %and3A_241 = arith.constant -8192 : i32
    %and3A_242 = vector.broadcast %and3A_241 : i32 to vector<256x2048xi32>
    %and3A_243 = arith.andi %bitcast_convert_type3A_240, %and3A_242 : vector<256x2048xi32>
    %or3A_244 = arith.ori %and3A_243, %add3A_235 : vector<256x2048xi32>
    %jit3A_245 = arith.constant 2147483647 : i32
    %broadcast_in_dim3A_246 = vector.broadcast %jit3A_245 : i32 to vector<256x2048xi32>
    %select_n3A_247 = arith.select %eq3A_236, %broadcast_in_dim3A_246, %or3A_244 : vector<256x2048xi1>, vector<256x2048xi32>
    %jit3A_248 = arith.constant 8 : i32
    %div3A_249 = arith.divsi %arg0, %jit3A_248 : i32
    %sign3A_250 = arith.constant 0 : i32
    %sign3A_251 = arith.cmpi sgt, %arg0, %sign3A_250 : i32
    %sign3A_252 = arith.extui %sign3A_251 : i1 to i32
    %sign3A_253 = arith.constant 0 : i32
    %sign3A_254 = arith.cmpi slt, %arg0, %sign3A_253 : i32
    %sign3A_255 = arith.extui %sign3A_254 : i1 to i32
    %sign3A_256 = arith.subi %sign3A_252, %sign3A_255 : i32
    %sign3A_257 = arith.constant 0 : i32
    %sign3A_258 = arith.cmpi sgt, %jit3A_248, %sign3A_257 : i32
    %sign3A_259 = arith.extui %sign3A_258 : i1 to i32
    %sign3A_260 = arith.constant 0 : i32
    %sign3A_261 = arith.cmpi slt, %jit3A_248, %sign3A_260 : i32
    %sign3A_262 = arith.extui %sign3A_261 : i1 to i32
    %sign3A_263 = arith.subi %sign3A_259, %sign3A_262 : i32
    %ne3A_264 = arith.cmpi ne, %sign3A_256, %sign3A_263 : i32
    %rem3A_265 = arith.remsi %arg0, %jit3A_248 : i32
    %ne3A_266 = arith.constant 0 : i32
    %ne3A_267 = arith.cmpi ne, %rem3A_265, %ne3A_266 : i32
    %and3A_268 = arith.andi %ne3A_264, %ne3A_267 : i1
    %sub3A_269 = arith.constant 1 : i32
    %sub3A_270 = arith.subi %div3A_249, %sub3A_269 : i32
    %select_n3A_271 = arith.select %and3A_268, %sub3A_270, %div3A_249 : i32
    %eq3A_272 = arith.constant 2 : i32
    %eq3A_273 = arith.cmpi eq, %select_n3A_271, %eq3A_272 : i32
    %convert_element_type3A_274 = arith.extui %eq3A_273 : i1 to i32
    %cond3A_275 = arith.constant 0 : i32
    %cond3A_276 = arith.cmpi ne, %convert_element_type3A_274, %cond3A_275 : i32
    scf.if %cond3A_276 {
      %jit3A_589 = arith.constant 0.000000e+00 : f32
      %broadcast_in_dim3A_590 = vector.broadcast %jit3A_589 : f32 to vector<256x2048xf32>
      %select_n3A_591 = arith.select %eq3A_236, %sub3A_232, %broadcast_in_dim3A_590 : vector<256x2048xi1>, vector<256x2048xf32>
      %reduce_sum3A_592 = arith.constant dense<0.000000e+00> : vector<256xf32>
      %reduce_sum3A_593 = vector.multi_reduction <add>, %select_n3A_591, %reduce_sum3A_592 [1] : vector<256x2048xf32> to vector<256xf32>
      %broadcast_in_dim3A_594 = vector.shape_cast %reduce_sum3A_593 : vector<256xf32> to vector<256x1xf32>
      %swap3A_595 = arith.constant 0 : index
      %swap3A_596 = arith.constant 0 : index
      %swap3A_597 = vector.load %arg8[%swap3A_595, %swap3A_596] : memref<256x1xf32, #tpu.memory_space<vmem>>, vector<256x1xf32>
      tpu.vector_store %arg8[%swap3A_595, %swap3A_596], %broadcast_in_dim3A_594 {strides = array<i32>} : memref<256x1xf32, #tpu.memory_space<vmem>>, vector<256x1xf32>,
    } else {
    }
    %slice3A_277 = vector.extract_strided_slice %select_n3A_247 {offsets = [0, 0], sizes = [256, 512], strides = [1, 1]} : vector<256x2048xi32> to vector<256x512xi32>
    %slice3A_278 = vector.extract_strided_slice %select_n3A_247 {offsets = [0, 512], sizes = [256, 512], strides = [1, 1]} : vector<256x2048xi32> to vector<256x512xi32>
    %slice3A_279 = vector.extract_strided_slice %select_n3A_247 {offsets = [0, 1024], sizes = [256, 512], strides = [1, 1]} : vector<256x2048xi32> to vector<256x512xi32>
    %slice3A_280 = vector.extract_strided_slice %select_n3A_247 {offsets = [0, 1536], sizes = [256, 512], strides = [1, 1]} : vector<256x2048xi32> to vector<256x512xi32>
    %min3A_281 = arith.minsi %slice3A_277, %slice3A_278 : vector<256x512xi32>
    %max3A_282 = arith.maxsi %slice3A_277, %slice3A_278 : vector<256x512xi32>
    %min3A_283 = arith.minsi %slice3A_279, %slice3A_280 : vector<256x512xi32>
    %max3A_284 = arith.maxsi %slice3A_279, %slice3A_280 : vector<256x512xi32>
    %min3A_285 = arith.minsi %min3A_281, %min3A_283 : vector<256x512xi32>
    %max3A_286 = arith.maxsi %min3A_281, %min3A_283 : vector<256x512xi32>
    %min3A_287 = arith.minsi %max3A_282, %max3A_284 : vector<256x512xi32>
    %max3A_288 = arith.maxsi %max3A_282, %max3A_284 : vector<256x512xi32>
    %min3A_289 = arith.minsi %min3A_287, %max3A_286 : vector<256x512xi32>
    %max3A_290 = arith.maxsi %min3A_287, %max3A_286 : vector<256x512xi32>
    %get3A_291 = arith.constant 0 : index
    %get3A_292 = arith.constant 0 : index
    %get3A_293 = vector.load %arg5[%get3A_291, %get3A_292] : memref<256x2048xi32, #tpu.memory_space<vmem>>, vector<256x512xi32>
    %get3A_294 = arith.constant 0 : index
    %get3A_295 = arith.constant 512 : index
    %get3A_296 = vector.load %arg5[%get3A_294, %get3A_295] : memref<256x2048xi32, #tpu.memory_space<vmem>>, vector<256x512xi32>
    %get3A_297 = arith.constant 0 : index
    %get3A_298 = arith.constant 1024 : index
    %get3A_299 = vector.load %arg5[%get3A_297, %get3A_298] : memref<256x2048xi32, #tpu.memory_space<vmem>>, vector<256x512xi32>
    %get3A_300 = arith.constant 0 : index
    %get3A_301 = arith.constant 1536 : index
    %get3A_302 = vector.load %arg5[%get3A_300, %get3A_301] : memref<256x2048xi32, #tpu.memory_space<vmem>>, vector<256x512xi32>
    %min3A_303 = arith.minsi %get3A_293, %max3A_288 : vector<256x512xi32>
    %min3A_304 = arith.minsi %get3A_296, %max3A_290 : vector<256x512xi32>
    %min3A_305 = arith.minsi %get3A_299, %min3A_289 : vector<256x512xi32>
    %min3A_306 = arith.minsi %get3A_302, %min3A_285 : vector<256x512xi32>
    %min3A_307 = arith.minsi %min3A_303, %min3A_305 : vector<256x512xi32>
    %max3A_308 = arith.maxsi %min3A_303, %min3A_305 : vector<256x512xi32>
    %min3A_309 = arith.minsi %min3A_304, %min3A_306 : vector<256x512xi32>
    %max3A_310 = arith.maxsi %min3A_304, %min3A_306 : vector<256x512xi32>
    %min3A_311 = arith.minsi %min3A_307, %min3A_309 : vector<256x512xi32>
    %max3A_312 = arith.maxsi %min3A_307, %min3A_309 : vector<256x512xi32>
    %min3A_313 = arith.minsi %max3A_308, %max3A_310 : vector<256x512xi32>
    %max3A_314 = arith.maxsi %max3A_308, %max3A_310 : vector<256x512xi32>
    %swap3A_315 = arith.constant 0 : index
    %swap3A_316 = arith.constant 0 : index
    %swap3A_317 = vector.load %arg5[%swap3A_315, %swap3A_316] : memref<256x2048xi32, #tpu.memory_space<vmem>>, vector<256x512xi32>
    tpu.vector_store %arg5[%swap3A_315, %swap3A_316], %min3A_311 {strides = array<i32>} : memref<256x2048xi32, #tpu.memory_space<vmem>>, vector<256x512xi32>,
    %swap3A_318 = arith.constant 0 : index
    %swap3A_319 = arith.constant 512 : index
    %swap3A_320 = vector.load %arg5[%swap3A_318, %swap3A_319] : memref<256x2048xi32, #tpu.memory_space<vmem>>, vector<256x512xi32>
    tpu.vector_store %arg5[%swap3A_318, %swap3A_319], %max3A_312 {strides = array<i32>} : memref<256x2048xi32, #tpu.memory_space<vmem>>, vector<256x512xi32>,
    %swap3A_321 = arith.constant 0 : index
    %swap3A_322 = arith.constant 1024 : index
    %swap3A_323 = vector.load %arg5[%swap3A_321, %swap3A_322] : memref<256x2048xi32, #tpu.memory_space<vmem>>, vector<256x512xi32>
    tpu.vector_store %arg5[%swap3A_321, %swap3A_322], %min3A_313 {strides = array<i32>} : memref<256x2048xi32, #tpu.memory_space<vmem>>, vector<256x512xi32>,
    %swap3A_324 = arith.constant 0 : index
    %swap3A_325 = arith.constant 1536 : index
    %swap3A_326 = vector.load %arg5[%swap3A_324, %swap3A_325] : memref<256x2048xi32, #tpu.memory_space<vmem>>, vector<256x512xi32>
    tpu.vector_store %arg5[%swap3A_324, %swap3A_325], %max3A_314 {strides = array<i32>} : memref<256x2048xi32, #tpu.memory_space<vmem>>, vector<256x512xi32>,
    %get3A_327 = arith.constant 6144 : index
    %get3A_328 = arith.constant 0 : index
    %get3A_329 = vector.load %arg2[%get3A_327, %get3A_328] : memref<8192x256xbf16, #tpu.memory_space<vmem>>, vector<2048x256xbf16>
    %dot_general3A_330 = arith.constant dense<0.000000e+00> : vector<256x2048xf32>
    %dot_general3A_331 = tpu.matmul %get3A_6, %get3A_329, %dot_general3A_330 {dimension_numbers = #tpu.dot_dimension_numbers<[1], [1], [0], [0], [0, 0, 1, 0], [], []>, transpose_lhs_hint = false} : vector<256x256xbf16>, vector<2048x256xbf16>, vector<256x2048xf32> -> vector<256x2048xf32>
    %get3A_332 = arith.constant 0 : index
    %get3A_333 = arith.constant 6144 : index
    %get3A_334 = vector.load %arg6[%get3A_332, %get3A_333] : memref<8x8192xf32, #tpu.memory_space<vmem>>, vector<1x2048xf32>
    %add3A_335 = vector.broadcast %broadcast_in_dim3A_9 : vector<256x1xf32> to vector<256x2048xf32>
    %add3A_336 = vector.broadcast %get3A_334 : vector<1x2048xf32> to vector<256x2048xf32>
    %add3A_337 = arith.addf %add3A_335, %add3A_336 : vector<256x2048xf32>
    %mul3A_338 = arith.constant 2.000000e+00 : f32
    %mul3A_339 = vector.broadcast %mul3A_338 : f32 to vector<256x2048xf32>
    %mul3A_340 = arith.mulf %mul3A_339, %dot_general3A_331 : vector<256x2048xf32>
    %sub3A_341 = arith.subf %add3A_337, %mul3A_340 : vector<256x2048xf32>
    %add3A_342 = arith.constant 6144 : i32
    %add3A_343 = vector.broadcast %add3A_342 : i32 to vector<256x2048xi32>
    %add3A_344 = arith.addi %iota3A_13, %add3A_343 : vector<256x2048xi32>
    %eq3A_345 = arith.cmpi eq, %add3A_344, %add3A_12 : vector<256x2048xi32>
    %max3A_346 = arith.constant 0.000000e+00 : f32
    %max3A_347 = vector.broadcast %max3A_346 : f32 to vector<256x2048xf32>
    %max3A_348 = arith.maximumf %sub3A_341, %max3A_347 : vector<256x2048xf32>
    %bitcast_convert_type3A_349 = tpu.bitcast %max3A_348 : vector<256x2048xf32> -> vector<256x2048xi32>
    %and3A_350 = arith.constant -8192 : i32
    %and3A_351 = vector.broadcast %and3A_350 : i32 to vector<256x2048xi32>
    %and3A_352 = arith.andi %bitcast_convert_type3A_349, %and3A_351 : vector<256x2048xi32>
    %or3A_353 = arith.ori %and3A_352, %add3A_344 : vector<256x2048xi32>
    %jit3A_354 = arith.constant 2147483647 : i32
    %broadcast_in_dim3A_355 = vector.broadcast %jit3A_354 : i32 to vector<256x2048xi32>
    %select_n3A_356 = arith.select %eq3A_345, %broadcast_in_dim3A_355, %or3A_353 : vector<256x2048xi1>, vector<256x2048xi32>
    %jit3A_357 = arith.constant 8 : i32
    %div3A_358 = arith.divsi %arg0, %jit3A_357 : i32
    %sign3A_359 = arith.constant 0 : i32
    %sign3A_360 = arith.cmpi sgt, %arg0, %sign3A_359 : i32
    %sign3A_361 = arith.extui %sign3A_360 : i1 to i32
    %sign3A_362 = arith.constant 0 : i32
    %sign3A_363 = arith.cmpi slt, %arg0, %sign3A_362 : i32
    %sign3A_364 = arith.extui %sign3A_363 : i1 to i32
    %sign3A_365 = arith.subi %sign3A_361, %sign3A_364 : i32
    %sign3A_366 = arith.constant 0 : i32
    %sign3A_367 = arith.cmpi sgt, %jit3A_357, %sign3A_366 : i32
    %sign3A_368 = arith.extui %sign3A_367 : i1 to i32
    %sign3A_369 = arith.constant 0 : i32
    %sign3A_370 = arith.cmpi slt, %jit3A_357, %sign3A_369 : i32
    %sign3A_371 = arith.extui %sign3A_370 : i1 to i32
    %sign3A_372 = arith.subi %sign3A_368, %sign3A_371 : i32
    %ne3A_373 = arith.cmpi ne, %sign3A_365, %sign3A_372 : i32
    %rem3A_374 = arith.remsi %arg0, %jit3A_357 : i32
    %ne3A_375 = arith.constant 0 : i32
    %ne3A_376 = arith.cmpi ne, %rem3A_374, %ne3A_375 : i32
    %and3A_377 = arith.andi %ne3A_373, %ne3A_376 : i1
    %sub3A_378 = arith.constant 1 : i32
    %sub3A_379 = arith.subi %div3A_358, %sub3A_378 : i32
    %select_n3A_380 = arith.select %and3A_377, %sub3A_379, %div3A_358 : i32
    %eq3A_381 = arith.constant 3 : i32
    %eq3A_382 = arith.cmpi eq, %select_n3A_380, %eq3A_381 : i32
    %convert_element_type3A_383 = arith.extui %eq3A_382 : i1 to i32
    %cond3A_384 = arith.constant 0 : i32
    %cond3A_385 = arith.cmpi ne, %convert_element_type3A_383, %cond3A_384 : i32
    scf.if %cond3A_385 {
      %jit3A_589 = arith.constant 0.000000e+00 : f32
      %broadcast_in_dim3A_590 = vector.broadcast %jit3A_589 : f32 to vector<256x2048xf32>
      %select_n3A_591 = arith.select %eq3A_345, %sub3A_341, %broadcast_in_dim3A_590 : vector<256x2048xi1>, vector<256x2048xf32>
      %reduce_sum3A_592 = arith.constant dense<0.000000e+00> : vector<256xf32>
      %reduce_sum3A_593 = vector.multi_reduction <add>, %select_n3A_591, %reduce_sum3A_592 [1] : vector<256x2048xf32> to vector<256xf32>
      %broadcast_in_dim3A_594 = vector.shape_cast %reduce_sum3A_593 : vector<256xf32> to vector<256x1xf32>
      %swap3A_595 = arith.constant 0 : index
      %swap3A_596 = arith.constant 0 : index
      %swap3A_597 = vector.load %arg8[%swap3A_595, %swap3A_596] : memref<256x1xf32, #tpu.memory_space<vmem>>, vector<256x1xf32>
      tpu.vector_store %arg8[%swap3A_595, %swap3A_596], %broadcast_in_dim3A_594 {strides = array<i32>} : memref<256x1xf32, #tpu.memory_space<vmem>>, vector<256x1xf32>,
    } else {
    }
    %slice3A_386 = vector.extract_strided_slice %select_n3A_356 {offsets = [0, 0], sizes = [256, 512], strides = [1, 1]} : vector<256x2048xi32> to vector<256x512xi32>
    %slice3A_387 = vector.extract_strided_slice %select_n3A_356 {offsets = [0, 512], sizes = [256, 512], strides = [1, 1]} : vector<256x2048xi32> to vector<256x512xi32>
    %slice3A_388 = vector.extract_strided_slice %select_n3A_356 {offsets = [0, 1024], sizes = [256, 512], strides = [1, 1]} : vector<256x2048xi32> to vector<256x512xi32>
    %slice3A_389 = vector.extract_strided_slice %select_n3A_356 {offsets = [0, 1536], sizes = [256, 512], strides = [1, 1]} : vector<256x2048xi32> to vector<256x512xi32>
    %min3A_390 = arith.minsi %slice3A_386, %slice3A_387 : vector<256x512xi32>
    %max3A_391 = arith.maxsi %slice3A_386, %slice3A_387 : vector<256x512xi32>
    %min3A_392 = arith.minsi %slice3A_388, %slice3A_389 : vector<256x512xi32>
    %max3A_393 = arith.maxsi %slice3A_388, %slice3A_389 : vector<256x512xi32>
    %min3A_394 = arith.minsi %min3A_390, %min3A_392 : vector<256x512xi32>
    %max3A_395 = arith.maxsi %min3A_390, %min3A_392 : vector<256x512xi32>
    %min3A_396 = arith.minsi %max3A_391, %max3A_393 : vector<256x512xi32>
    %max3A_397 = arith.maxsi %max3A_391, %max3A_393 : vector<256x512xi32>
    %min3A_398 = arith.minsi %min3A_396, %max3A_395 : vector<256x512xi32>
    %max3A_399 = arith.maxsi %min3A_396, %max3A_395 : vector<256x512xi32>
    %get3A_400 = arith.constant 0 : index
    %get3A_401 = arith.constant 0 : index
    %get3A_402 = vector.load %arg5[%get3A_400, %get3A_401] : memref<256x2048xi32, #tpu.memory_space<vmem>>, vector<256x512xi32>
    %get3A_403 = arith.constant 0 : index
    %get3A_404 = arith.constant 512 : index
    %get3A_405 = vector.load %arg5[%get3A_403, %get3A_404] : memref<256x2048xi32, #tpu.memory_space<vmem>>, vector<256x512xi32>
    %get3A_406 = arith.constant 0 : index
    %get3A_407 = arith.constant 1024 : index
    %get3A_408 = vector.load %arg5[%get3A_406, %get3A_407] : memref<256x2048xi32, #tpu.memory_space<vmem>>, vector<256x512xi32>
    %get3A_409 = arith.constant 0 : index
    %get3A_410 = arith.constant 1536 : index
    %get3A_411 = vector.load %arg5[%get3A_409, %get3A_410] : memref<256x2048xi32, #tpu.memory_space<vmem>>, vector<256x512xi32>
    %min3A_412 = arith.minsi %get3A_402, %max3A_397 : vector<256x512xi32>
    %min3A_413 = arith.minsi %get3A_405, %max3A_399 : vector<256x512xi32>
    %min3A_414 = arith.minsi %get3A_408, %min3A_398 : vector<256x512xi32>
    %min3A_415 = arith.minsi %get3A_411, %min3A_394 : vector<256x512xi32>
    %min3A_416 = arith.minsi %min3A_412, %min3A_414 : vector<256x512xi32>
    %max3A_417 = arith.maxsi %min3A_412, %min3A_414 : vector<256x512xi32>
    %min3A_418 = arith.minsi %min3A_413, %min3A_415 : vector<256x512xi32>
    %max3A_419 = arith.maxsi %min3A_413, %min3A_415 : vector<256x512xi32>
    %min3A_420 = arith.minsi %min3A_416, %min3A_418 : vector<256x512xi32>
    %max3A_421 = arith.maxsi %min3A_416, %min3A_418 : vector<256x512xi32>
    %min3A_422 = arith.minsi %max3A_417, %max3A_419 : vector<256x512xi32>
    %max3A_423 = arith.maxsi %max3A_417, %max3A_419 : vector<256x512xi32>
    %swap3A_424 = arith.constant 0 : index
    %swap3A_425 = arith.constant 0 : index
    %swap3A_426 = vector.load %arg5[%swap3A_424, %swap3A_425] : memref<256x2048xi32, #tpu.memory_space<vmem>>, vector<256x512xi32>
    tpu.vector_store %arg5[%swap3A_424, %swap3A_425], %min3A_420 {strides = array<i32>} : memref<256x2048xi32, #tpu.memory_space<vmem>>, vector<256x512xi32>,
    %swap3A_427 = arith.constant 0 : index
    %swap3A_428 = arith.constant 512 : index
    %swap3A_429 = vector.load %arg5[%swap3A_427, %swap3A_428] : memref<256x2048xi32, #tpu.memory_space<vmem>>, vector<256x512xi32>
    tpu.vector_store %arg5[%swap3A_427, %swap3A_428], %max3A_421 {strides = array<i32>} : memref<256x2048xi32, #tpu.memory_space<vmem>>, vector<256x512xi32>,
    %swap3A_430 = arith.constant 0 : index
    %swap3A_431 = arith.constant 1024 : index
    %swap3A_432 = vector.load %arg5[%swap3A_430, %swap3A_431] : memref<256x2048xi32, #tpu.memory_space<vmem>>, vector<256x512xi32>
    tpu.vector_store %arg5[%swap3A_430, %swap3A_431], %min3A_422 {strides = array<i32>} : memref<256x2048xi32, #tpu.memory_space<vmem>>, vector<256x512xi32>,
    %swap3A_433 = arith.constant 0 : index
    %swap3A_434 = arith.constant 1536 : index
    %swap3A_435 = vector.load %arg5[%swap3A_433, %swap3A_434] : memref<256x2048xi32, #tpu.memory_space<vmem>>, vector<256x512xi32>
    tpu.vector_store %arg5[%swap3A_433, %swap3A_434], %max3A_423 {strides = array<i32>} : memref<256x2048xi32, #tpu.memory_space<vmem>>, vector<256x512xi32>,
    %get3A_436 = arith.constant 0 : index
    %get3A_437 = arith.constant 0 : index
    %get3A_438 = vector.load %arg8[%get3A_436, %get3A_437] : memref<256x1xf32, #tpu.memory_space<vmem>>, vector<256x1xf32>
    %get3A_439 = arith.constant 0 : index
    %get3A_440 = arith.constant 0 : index
    %get3A_441 = vector.load %arg5[%get3A_439, %get3A_440] : memref<256x2048xi32, #tpu.memory_space<vmem>>, vector<256x128xi32>
    %get3A_442 = arith.constant 0 : index
    %get3A_443 = arith.constant 512 : index
    %get3A_444 = vector.load %arg5[%get3A_442, %get3A_443] : memref<256x2048xi32, #tpu.memory_space<vmem>>, vector<256x128xi32>
    %get3A_445 = arith.constant 0 : index
    %get3A_446 = arith.constant 1024 : index
    %get3A_447 = vector.load %arg5[%get3A_445, %get3A_446] : memref<256x2048xi32, #tpu.memory_space<vmem>>, vector<256x128xi32>
    %get3A_448 = arith.constant 0 : index
    %get3A_449 = arith.constant 1536 : index
    %get3A_450 = vector.load %arg5[%get3A_448, %get3A_449] : memref<256x2048xi32, #tpu.memory_space<vmem>>, vector<256x128xi32>
    %get3A_451 = arith.constant 0 : index
    %get3A_452 = arith.constant 128 : index
    %get3A_453 = vector.load %arg5[%get3A_451, %get3A_452] : memref<256x2048xi32, #tpu.memory_space<vmem>>, vector<256x128xi32>
    %get3A_454 = arith.constant 0 : index
    %get3A_455 = arith.constant 640 : index
    %get3A_456 = vector.load %arg5[%get3A_454, %get3A_455] : memref<256x2048xi32, #tpu.memory_space<vmem>>, vector<256x128xi32>
    %get3A_457 = arith.constant 0 : index
    %get3A_458 = arith.constant 1152 : index
    %get3A_459 = vector.load %arg5[%get3A_457, %get3A_458] : memref<256x2048xi32, #tpu.memory_space<vmem>>, vector<256x128xi32>
    %get3A_460 = arith.constant 0 : index
    %get3A_461 = arith.constant 1664 : index
    %get3A_462 = vector.load %arg5[%get3A_460, %get3A_461] : memref<256x2048xi32, #tpu.memory_space<vmem>>, vector<256x128xi32>
    %get3A_463 = arith.constant 0 : index
    %get3A_464 = arith.constant 256 : index
    %get3A_465 = vector.load %arg5[%get3A_463, %get3A_464] : memref<256x2048xi32, #tpu.memory_space<vmem>>, vector<256x128xi32>
    %get3A_466 = arith.constant 0 : index
    %get3A_467 = arith.constant 768 : index
    %get3A_468 = vector.load %arg5[%get3A_466, %get3A_467] : memref<256x2048xi32, #tpu.memory_space<vmem>>, vector<256x128xi32>
    %get3A_469 = arith.constant 0 : index
    %get3A_470 = arith.constant 1280 : index
    %get3A_471 = vector.load %arg5[%get3A_469, %get3A_470] : memref<256x2048xi32, #tpu.memory_space<vmem>>, vector<256x128xi32>
    %get3A_472 = arith.constant 0 : index
    %get3A_473 = arith.constant 1792 : index
    %get3A_474 = vector.load %arg5[%get3A_472, %get3A_473] : memref<256x2048xi32, #tpu.memory_space<vmem>>, vector<256x128xi32>
    %get3A_475 = arith.constant 0 : index
    %get3A_476 = arith.constant 384 : index
    %get3A_477 = vector.load %arg5[%get3A_475, %get3A_476] : memref<256x2048xi32, #tpu.memory_space<vmem>>, vector<256x128xi32>
    %get3A_478 = arith.constant 0 : index
    %get3A_479 = arith.constant 896 : index
    %get3A_480 = vector.load %arg5[%get3A_478, %get3A_479] : memref<256x2048xi32, #tpu.memory_space<vmem>>, vector<256x128xi32>
    %get3A_481 = arith.constant 0 : index
    %get3A_482 = arith.constant 1408 : index
    %get3A_483 = vector.load %arg5[%get3A_481, %get3A_482] : memref<256x2048xi32, #tpu.memory_space<vmem>>, vector<256x128xi32>
    %get3A_484 = arith.constant 0 : index
    %get3A_485 = arith.constant 1920 : index
    %get3A_486 = vector.load %arg5[%get3A_484, %get3A_485] : memref<256x2048xi32, #tpu.memory_space<vmem>>, vector<256x128xi32>
    %min3A_487 = arith.minsi %get3A_441, %get3A_462 : vector<256x128xi32>
    %min3A_488 = arith.minsi %get3A_444, %get3A_459 : vector<256x128xi32>
    %min3A_489 = arith.minsi %get3A_447, %get3A_456 : vector<256x128xi32>
    %min3A_490 = arith.minsi %get3A_450, %get3A_453 : vector<256x128xi32>
    %min3A_491 = arith.minsi %min3A_487, %min3A_489 : vector<256x128xi32>
    %max3A_492 = arith.maxsi %min3A_487, %min3A_489 : vector<256x128xi32>
    %min3A_493 = arith.minsi %min3A_488, %min3A_490 : vector<256x128xi32>
    %max3A_494 = arith.maxsi %min3A_488, %min3A_490 : vector<256x128xi32>
    %min3A_495 = arith.minsi %min3A_491, %min3A_493 : vector<256x128xi32>
    %max3A_496 = arith.maxsi %min3A_491, %min3A_493 : vector<256x128xi32>
    %min3A_497 = arith.minsi %max3A_492, %max3A_494 : vector<256x128xi32>
    %max3A_498 = arith.maxsi %max3A_492, %max3A_494 : vector<256x128xi32>
    %min3A_499 = arith.minsi %get3A_465, %get3A_486 : vector<256x128xi32>
    %min3A_500 = arith.minsi %get3A_468, %get3A_483 : vector<256x128xi32>
    %min3A_501 = arith.minsi %get3A_471, %get3A_480 : vector<256x128xi32>
    %min3A_502 = arith.minsi %get3A_474, %get3A_477 : vector<256x128xi32>
    %min3A_503 = arith.minsi %min3A_499, %min3A_501 : vector<256x128xi32>
    %max3A_504 = arith.maxsi %min3A_499, %min3A_501 : vector<256x128xi32>
    %min3A_505 = arith.minsi %min3A_500, %min3A_502 : vector<256x128xi32>
    %max3A_506 = arith.maxsi %min3A_500, %min3A_502 : vector<256x128xi32>
    %min3A_507 = arith.minsi %min3A_503, %min3A_505 : vector<256x128xi32>
    %max3A_508 = arith.maxsi %min3A_503, %min3A_505 : vector<256x128xi32>
    %min3A_509 = arith.minsi %max3A_504, %max3A_506 : vector<256x128xi32>
    %max3A_510 = arith.maxsi %max3A_504, %max3A_506 : vector<256x128xi32>
    %min3A_511 = arith.minsi %min3A_495, %max3A_510 : vector<256x128xi32>
    %min3A_512 = arith.minsi %max3A_496, %min3A_509 : vector<256x128xi32>
    %min3A_513 = arith.minsi %min3A_497, %max3A_508 : vector<256x128xi32>
    %min3A_514 = arith.minsi %max3A_498, %min3A_507 : vector<256x128xi32>
    %min3A_515 = arith.minsi %min3A_511, %min3A_513 : vector<256x128xi32>
    %max3A_516 = arith.maxsi %min3A_511, %min3A_513 : vector<256x128xi32>
    %min3A_517 = arith.minsi %min3A_512, %min3A_514 : vector<256x128xi32>
    %max3A_518 = arith.maxsi %min3A_512, %min3A_514 : vector<256x128xi32>
    %min3A_519 = arith.minsi %min3A_515, %min3A_517 : vector<256x128xi32>
    %max3A_520 = arith.maxsi %min3A_515, %min3A_517 : vector<256x128xi32>
    %min3A_521 = arith.minsi %max3A_516, %max3A_518 : vector<256x128xi32>
    %max3A_522 = arith.maxsi %max3A_516, %max3A_518 : vector<256x128xi32>
    %swap3A_523 = arith.constant 0 : index
    %swap3A_524 = arith.constant 0 : index
    %swap3A_525 = vector.load %arg5[%swap3A_523, %swap3A_524] : memref<256x2048xi32, #tpu.memory_space<vmem>>, vector<256x128xi32>
    tpu.vector_store %arg5[%swap3A_523, %swap3A_524], %min3A_519 {strides = array<i32>} : memref<256x2048xi32, #tpu.memory_space<vmem>>, vector<256x128xi32>,
    %swap3A_526 = arith.constant 0 : index
    %swap3A_527 = arith.constant 512 : index
    %swap3A_528 = vector.load %arg5[%swap3A_526, %swap3A_527] : memref<256x2048xi32, #tpu.memory_space<vmem>>, vector<256x128xi32>
    tpu.vector_store %arg5[%swap3A_526, %swap3A_527], %max3A_520 {strides = array<i32>} : memref<256x2048xi32, #tpu.memory_space<vmem>>, vector<256x128xi32>,
    %swap3A_529 = arith.constant 0 : index
    %swap3A_530 = arith.constant 1024 : index
    %swap3A_531 = vector.load %arg5[%swap3A_529, %swap3A_530] : memref<256x2048xi32, #tpu.memory_space<vmem>>, vector<256x128xi32>
    tpu.vector_store %arg5[%swap3A_529, %swap3A_530], %min3A_521 {strides = array<i32>} : memref<256x2048xi32, #tpu.memory_space<vmem>>, vector<256x128xi32>,
    %swap3A_532 = arith.constant 0 : index
    %swap3A_533 = arith.constant 1536 : index
    %swap3A_534 = vector.load %arg5[%swap3A_532, %swap3A_533] : memref<256x2048xi32, #tpu.memory_space<vmem>>, vector<256x128xi32>
    tpu.vector_store %arg5[%swap3A_532, %swap3A_533], %max3A_522 {strides = array<i32>} : memref<256x2048xi32, #tpu.memory_space<vmem>>, vector<256x128xi32>,
    %iota3A_535 = tpu.iota {dimensions = array<i32: 1>} : vector<256x128xi32>
    %iota3A_536 = tpu.iota {dimensions = array<i32: 0>} : vector<256x1xi32>
    %mul3A_537 = arith.constant 256 : i32
    %mul3A_538 = arith.muli %arg0, %mul3A_537 : i32
    %add3A_539 = vector.broadcast %mul3A_538 : i32 to vector<256x1xi32>
    %add3A_540 = arith.addi %iota3A_536, %add3A_539 : vector<256x1xi32>
    %scan3A = arith.constant 0 : i32
    %scan3A_541 = arith.constant 33 : i32
    %scan3A_542 = arith.addi %scan3A, %scan3A_541 : i32
    %scan3A_543 = arith.constant 1 : i32
    scf.for %scan3A_589 = %scan3A to %scan3A_542 step %scan3A_543  : i32 {
      %get3A_590 = arith.constant 0 : index
      %get3A_591 = arith.constant 0 : index
      %get3A_592 = vector.load %arg5[%get3A_590, %get3A_591] : memref<256x2048xi32, #tpu.memory_space<vmem>>, vector<256x128xi32>
      %reduce_min3A = arith.constant dense<2147483647> : vector<256xi32>
      %reduce_min3A_593 = vector.multi_reduction <minsi>, %get3A_592, %reduce_min3A [1] : vector<256x128xi32> to vector<256xi32>
      %broadcast_in_dim3A_594 = vector.shape_cast %reduce_min3A_593 : vector<256xi32> to vector<256x1xi32>
      %eq3A_595 = vector.broadcast %broadcast_in_dim3A_594 : vector<256x1xi32> to vector<256x128xi32>
      %eq3A_596 = arith.cmpi eq, %get3A_592, %eq3A_595 : vector<256x128xi32>
      %get3A_597 = arith.constant 0 : index
      %get3A_598 = arith.constant 512 : index
      %get3A_599 = vector.load %arg5[%get3A_597, %get3A_598] : memref<256x2048xi32, #tpu.memory_space<vmem>>, vector<256x128xi32>
      %get3A_600 = arith.constant 0 : index
      %get3A_601 = arith.constant 0 : index
      %get3A_602 = vector.load %arg5[%get3A_600, %get3A_601] : memref<256x2048xi32, #tpu.memory_space<vmem>>, vector<256x128xi32>
      %select_n3A_603 = arith.select %eq3A_596, %get3A_599, %get3A_602 : vector<256x128xi1>, vector<256x128xi32>
      %swap3A_604 = arith.constant 0 : index
      %swap3A_605 = arith.constant 0 : index
      %swap3A_606 = vector.load %arg5[%swap3A_604, %swap3A_605] : memref<256x2048xi32, #tpu.memory_space<vmem>>, vector<256x128xi32>
      tpu.vector_store %arg5[%swap3A_604, %swap3A_605], %select_n3A_603 {strides = array<i32>} : memref<256x2048xi32, #tpu.memory_space<vmem>>, vector<256x128xi32>,
      %get3A_607 = arith.constant 0 : index
      %get3A_608 = arith.constant 1024 : index
      %get3A_609 = vector.load %arg5[%get3A_607, %get3A_608] : memref<256x2048xi32, #tpu.memory_space<vmem>>, vector<256x128xi32>
      %get3A_610 = arith.constant 0 : index
      %get3A_611 = arith.constant 512 : index
      %get3A_612 = vector.load %arg5[%get3A_610, %get3A_611] : memref<256x2048xi32, #tpu.memory_space<vmem>>, vector<256x128xi32>
      %select_n3A_613 = arith.select %eq3A_596, %get3A_609, %get3A_612 : vector<256x128xi1>, vector<256x128xi32>
      %swap3A_614 = arith.constant 0 : index
      %swap3A_615 = arith.constant 512 : index
      %swap3A_616 = vector.load %arg5[%swap3A_614, %swap3A_615] : memref<256x2048xi32, #tpu.memory_space<vmem>>, vector<256x128xi32>
      tpu.vector_store %arg5[%swap3A_614, %swap3A_615], %select_n3A_613 {strides = array<i32>} : memref<256x2048xi32, #tpu.memory_space<vmem>>, vector<256x128xi32>,
      %get3A_617 = arith.constant 0 : index
      %get3A_618 = arith.constant 1536 : index
      %get3A_619 = vector.load %arg5[%get3A_617, %get3A_618] : memref<256x2048xi32, #tpu.memory_space<vmem>>, vector<256x128xi32>
      %get3A_620 = arith.constant 0 : index
      %get3A_621 = arith.constant 1024 : index
      %get3A_622 = vector.load %arg5[%get3A_620, %get3A_621] : memref<256x2048xi32, #tpu.memory_space<vmem>>, vector<256x128xi32>
      %select_n3A_623 = arith.select %eq3A_596, %get3A_619, %get3A_622 : vector<256x128xi1>, vector<256x128xi32>
      %swap3A_624 = arith.constant 0 : index
      %swap3A_625 = arith.constant 1024 : index
      %swap3A_626 = vector.load %arg5[%swap3A_624, %swap3A_625] : memref<256x2048xi32, #tpu.memory_space<vmem>>, vector<256x128xi32>
      tpu.vector_store %arg5[%swap3A_624, %swap3A_625], %select_n3A_623 {strides = array<i32>} : memref<256x2048xi32, #tpu.memory_space<vmem>>, vector<256x128xi32>,
      %get3A_627 = arith.constant 0 : index
      %get3A_628 = arith.constant 1536 : index
      %get3A_629 = vector.load %arg5[%get3A_627, %get3A_628] : memref<256x2048xi32, #tpu.memory_space<vmem>>, vector<256x128xi32>
      %jit3A_630 = arith.constant 2147483647 : i32
      %broadcast_in_dim3A_631 = vector.broadcast %jit3A_630 : i32 to vector<256x128xi32>
      %select_n3A_632 = arith.select %eq3A_596, %broadcast_in_dim3A_631, %get3A_629 : vector<256x128xi1>, vector<256x128xi32>
      %swap3A_633 = arith.constant 0 : index
      %swap3A_634 = arith.constant 1536 : index
      %swap3A_635 = vector.load %arg5[%swap3A_633, %swap3A_634] : memref<256x2048xi32, #tpu.memory_space<vmem>>, vector<256x128xi32>
      tpu.vector_store %arg5[%swap3A_633, %swap3A_634], %select_n3A_632 {strides = array<i32>} : memref<256x2048xi32, #tpu.memory_space<vmem>>, vector<256x128xi32>,
      %eq3A_636 = vector.broadcast %scan3A_589 : i32 to vector<256x128xi32>
      %eq3A_637 = arith.cmpi eq, %iota3A_535, %eq3A_636 : vector<256x128xi32>
      %get3A_638 = arith.constant 0 : index
      %get3A_639 = arith.constant 0 : index
      %get3A_640 = vector.load %arg7[%get3A_638, %get3A_639] : memref<256x128xi32, #tpu.memory_space<vmem>>, vector<256x128xi32>
      %broadcast_in_dim3A_641 = vector.shape_cast %broadcast_in_dim3A_594 : vector<256x1xi32> to vector<256x1xi32>
      %broadcast_in_dim3A_642 = vector.broadcast %broadcast_in_dim3A_641 : vector<256x1xi32> to vector<256x128xi32>
      %select_n3A_643 = arith.select %eq3A_637, %broadcast_in_dim3A_642, %get3A_640 : vector<256x128xi1>, vector<256x128xi32>
      %swap3A_644 = arith.constant 0 : index
      %swap3A_645 = arith.constant 0 : index
      %swap3A_646 = vector.load %arg7[%swap3A_644, %swap3A_645] : memref<256x128xi32, #tpu.memory_space<vmem>>, vector<256x128xi32>
      tpu.vector_store %arg7[%swap3A_644, %swap3A_645], %select_n3A_643 {strides = array<i32>} : memref<256x128xi32, #tpu.memory_space<vmem>>, vector<256x128xi32>,
    }
    %scan3A_544 = arith.constant 33 : i32
    %get3A_545 = arith.constant 0 : index
    %get3A_546 = arith.constant 0 : index
    %get3A_547 = vector.load %arg7[%get3A_545, %get3A_546] : memref<256x128xi32, #tpu.memory_space<vmem>>, vector<256x128xi32>
    %and3A_548 = arith.constant -8192 : i32
    %and3A_549 = vector.broadcast %and3A_548 : i32 to vector<256x128xi32>
    %and3A_550 = arith.andi %get3A_547, %and3A_549 : vector<256x128xi32>
    %bitcast_convert_type3A_551 = tpu.bitcast %and3A_550 : vector<256x128xi32> -> vector<256x128xf32>
    %and3A_552 = arith.constant 8191 : i32
    %and3A_553 = vector.broadcast %and3A_552 : i32 to vector<256x128xi32>
    %and3A_554 = arith.andi %get3A_547, %and3A_553 : vector<256x128xi32>
    %gt3A = vector.broadcast %add3A_540 : vector<256x1xi32> to vector<256x128xi32>
    %gt3A_555 = arith.cmpi sgt, %and3A_554, %gt3A : vector<256x128xi32>
    %convert_element_type3A_556 = arith.extui %gt3A_555 : vector<256x128xi1> to vector<256x128xi32>
    %sub3A_557 = arith.subi %and3A_554, %convert_element_type3A_556 : vector<256x128xi32>
    %swap3A_558 = arith.constant 0 : index
    %swap3A_559 = arith.constant 0 : index
    %swap3A_560 = vector.load %arg3[%swap3A_558, %swap3A_559] : memref<256x128xi32, #tpu.memory_space<vmem>>, vector<256x128xi32>
    tpu.vector_store %arg3[%swap3A_558, %swap3A_559], %sub3A_557 {strides = array<i32>} : memref<256x128xi32, #tpu.memory_space<vmem>>, vector<256x128xi32>,
    %slice3A_561 = vector.extract_strided_slice %bitcast_convert_type3A_551 {offsets = [0, 31], sizes = [256, 1], strides = [1, 1]} : vector<256x128xf32> to vector<256x1xf32>
    %slice3A_562 = vector.extract_strided_slice %bitcast_convert_type3A_551 {offsets = [0, 32], sizes = [256, 1], strides = [1, 1]} : vector<256x128xf32> to vector<256x1xf32>
    %max3A_563 = arith.constant 0.000000e+00 : f32
    %max3A_564 = vector.broadcast %max3A_563 : f32 to vector<256x1xf32>
    %max3A_565 = arith.maximumf %slice3A_562, %max3A_564 : vector<256x1xf32>
    %sqrt3A = math.sqrt %max3A_565 : vector<256x1xf32>
    %max3A_566 = arith.maximumf %get3A_438, %slice3A_561 : vector<256x1xf32>
    %min3A_567 = arith.minimumf %max3A_566, %slice3A_562 : vector<256x1xf32>
    %max3A_568 = arith.constant 0.000000e+00 : f32
    %max3A_569 = vector.broadcast %max3A_568 : f32 to vector<256x1xf32>
    %max3A_570 = arith.maximumf %min3A_567, %max3A_569 : vector<256x1xf32>
    %sqrt3A_571 = math.sqrt %max3A_570 : vector<256x1xf32>
    %eq3A_572 = arith.constant 0 : i32
    %eq3A_573 = vector.broadcast %eq3A_572 : i32 to vector<256x128xi32>
    %eq3A_574 = arith.cmpi eq, %iota3A_535, %eq3A_573 : vector<256x128xi32>
    %eq3A_575 = arith.constant 1 : i32
    %eq3A_576 = vector.broadcast %eq3A_575 : i32 to vector<256x128xi32>
    %eq3A_577 = arith.cmpi eq, %iota3A_535, %eq3A_576 : vector<256x128xi32>
    %jit3A_578 = arith.constant 0.000000e+00 : f32
    %broadcast_in_dim3A_579 = vector.shape_cast %sqrt3A_571 : vector<256x1xf32> to vector<256x1xf32>
    %broadcast_in_dim3A_580 = vector.broadcast %broadcast_in_dim3A_579 : vector<256x1xf32> to vector<256x128xf32>
    %broadcast_in_dim3A_581 = vector.broadcast %jit3A_578 : f32 to vector<256x128xf32>
    %select_n3A_582 = arith.select %eq3A_577, %broadcast_in_dim3A_580, %broadcast_in_dim3A_581 : vector<256x128xi1>, vector<256x128xf32>
    %broadcast_in_dim3A_583 = vector.shape_cast %sqrt3A : vector<256x1xf32> to vector<256x1xf32>
    %broadcast_in_dim3A_584 = vector.broadcast %broadcast_in_dim3A_583 : vector<256x1xf32> to vector<256x128xf32>
    %select_n3A_585 = arith.select %eq3A_574, %broadcast_in_dim3A_584, %select_n3A_582 : vector<256x128xi1>, vector<256x128xf32>
    %swap3A_586 = arith.constant 0 : index
    %swap3A_587 = arith.constant 0 : index
    %swap3A_588 = vector.load %arg4[%swap3A_586, %swap3A_587] : memref<256x128xf32, #tpu.memory_space<vmem>>, vector<256x128xf32>
    tpu.vector_store %arg4[%swap3A_586, %swap3A_587], %select_n3A_585 {strides = array<i32>} : memref<256x128xf32, #tpu.memory_space<vmem>>, vector<256x128xf32>,
    return
  }
  func.func @transform_0(%arg0: i32) -> (i32, i32) {
    %c0_i32 = arith.constant 0 : i32
    %c0_i32_0 = arith.constant 0 : i32
    return %arg0, %c0_i32 : i32, i32
  }
  func.func @transform_1(%arg0: i32) -> (i32, i32) {
    %c0_i32 = arith.constant 0 : i32
    %c0_i32_0 = arith.constant 0 : i32
    %c0_i32_1 = arith.constant 0 : i32
    return %c0_i32, %c0_i32_0 : i32, i32
  }
  func.func @transform_2(%arg0: i32) -> (i32, i32) {
    %c0_i32 = arith.constant 0 : i32
    %c0_i32_0 = arith.constant 0 : i32
    return %arg0, %c0_i32 : i32, i32
  }
  func.func @transform_3(%arg0: i32) -> (i32, i32) {
    %c0_i32 = arith.constant 0 : i32
    %c0_i32_0 = arith.constant 0 : i32
    return %arg0, %c0_i32 : i32, i32
  }
}

</mosaic_0001>

<sc_bundles>
// kernel: kernel.5.cloned.1.call-start
scs
__scs_entry_jumppad:
0x0: {  	(pc) =	sbr.rel $0x88, $3  }
0x1: {  	(tag) =	ssettag $0x0;
	lr =	simm.s32 $0x1  }
0x2: {  	[smem:$0x3F9F] =	sst lr;
	_ =	strace $0xD0000000  }
0x3: {  	_ = 	snop  }
0x4: {  	_ = 	snop  }
0x5: {  	_ = 	snop  }
0x6: {  	_ = 	snop  }
0x7: {  	_ = 	snop  }
__scs_overlays_trampoline_lowered:
0x8: {  	[smem:$0x3FAE] =	sst s0  }
0x9: {  	[smem:$0x3FAF] =	sst s1  }
0xa: {  	[smem:$0x3FB0] =	sst s2  }
0xb: {  	[smem:$0x3FB1] =	sst s3  }
0xc: {  	[smem:$0x3FB2] =	sst s4  }
0xd: {  	[smem:$0x3FB3] =	sst s5  }
0xe: {  	[smem:$0x3FB4] =	sst s6  }
0xf: {  	[smem:$0x3FB5] =	sst s7  }
0x10: {  	[smem:$0x3FB6] =	sst s8  }
0x11: {  	[smem:$0x3FB7] =	sst s9;
	s0 =	simm.s32 @!p0 $0x0  }
0x12: {  	s1 =	sld [smem:$0x3F9D];
	s0 =	simm.s32 @p0 $0x1  }
0x13: {  	[smem:$0x3FB8] =	sst s0;
	s0 =	simm.s32 @!p1 $0x0  }
0x14: {  	s2 =	sld [smem:$0x3F9C];
	s0 =	simm.s32 @p1 $0x1  }
0x15: {  	[smem:$0x3FB9] =	sst s0;
	s0 =	simm.s32 @!p2 $0x0  }
0x16: {  	s3 =	sld [smem:$0x3FDB];
	s0 =	simm.s32 @p2 $0x1  }
0x17: {  	s4 =	simm.s32 $0x1BF5;
	[smem:$0x3FBB] =	sst s0  }
0x18: {  	s0 =	sld [smem:$0x3F9E];
	_ =	swait.ge [sflag:s4], $0x0  }
0x19: {  	s7 =	sld [smem:$0x3F9F]  }
0x1a: {  	s8 =	sadd.s32 $0xFFFFE003, lr  }
0x1b: {  	s9 =	sadd.s32 $0xFFFFFEF7, lr;
	s5 =	simm.s32 $0xFFFFFFFF;
	p2 =	slt.u32 s8, $0xFFFFF086  }
0x1c: {  	p1 =	slt.u32 s9, $0xF7A;
	s5 =	simm.s32 @!p2 $0x0  }
0x1d: {  	s5 =	simm.s32 @p1 $0x1;
	p0 =	seq.s32 s7, s2  }
0x1e: {  	s7 =	smul.u32 @!p0 $0xF7A, s2;
	p2 =	seq.s32 @!p0 s5, $0x0  }
0x1f: {  	s9 =	smul.u32 $0xF7A, s1;
	s8 =	simm.s32 @!p0 $0x1BF5;
	p2 =	por !p2, p0  }
0x20: {  	[sflag:s8] =	ssyncset.s32 @!p0 $0xFFFFF086;
	s6 =	sadd.s32 @!p0 s3, s7;
	s7 =	simm.s32 @!p0 $0x108  }
0x21: {  	s3 =	sadd.s32 s3, s9;
	s6 =	sadd.s32 @!p0 $0x88, s6;
	s7 =	simm.s32 @p2 $0x1082  }
0x22: {  	[simem:s7], [sflag:s8] =	dma.local @!p0 [hbm:s6], $0xF7A  }
0x23: {  	s9 =	sor.u32 $0xD0000000, s2;
	s6 =	simm.s32 $0x108;
	_ =	swait.ge @!p0 [sflag:s8], $0x0  }
0x24: {  	s3 =	sadd.s32 $0x88, s3;
	s6 =	simm.s32 @!p1 $0x1082;
	[sflag:s4] =	ssyncset.s32 $0xFFFFF086  }
0x25: {  	[simem:s6], [sflag:s4] =	dma.local [hbm:s3], $0xF7A  }
0x26: {  	[smem:$0x3F9F] =	sst s1;
	(tag) =	ssettag s2;
	_ =	strace s9  }
0x27: {  	s1 =	sld [smem:$0x3FAF]  }
0x28: {  	s2 =	sld [smem:$0x3FB0]  }
0x29: {  	s4 =	sld [smem:$0x3FB2]  }
0x2a: {  	p0 =	seq.s32 s5, $0x0;
	s5 =	sld [smem:$0x3FB3]  }
0x2b: {  	s6 =	sld [smem:$0x3FB4]  }
0x2c: {  	s7 =	sld [smem:$0x3FB5]  }
0x2d: {  	s3 =	simm.s32 $0x108;
	s8 =	sld [smem:$0x3FB6]  }
0x2e: {  	s3 =	simm.s32 @!p0 $0x1082;
	s9 =	sld [smem:$0x3FB7]  }
0x2f: {  	lr =	sadd.s32 s0, s3;
	s0 =	sld [smem:$0x3FAE]  }
0x30: {  	s3 =	sld [smem:$0x3FB1]  }
0x31: {  	[smem:$0x3FBA] =	sst s10  }
0x32: {  	s10 =	sld [smem:$0x3FB8];
	_ =	sdelay $0x3  }
0x33: {  	p0 =	seq.s32 s10, $0x1;
	s10 =	sld [smem:$0x3FBA];
	_ =	sdelay $0x3  }
0x34: {  	[smem:$0x3FBA] =	sst s10  }
0x35: {  	s10 =	sld [smem:$0x3FB9];
	_ =	sdelay $0x3  }
0x36: {  	p1 =	seq.s32 s10, $0x1;
	s10 =	sld [smem:$0x3FBA];
	_ =	sdelay $0x3  }
0x37: {  	[smem:$0x3FBA] =	sst s10  }
0x38: {  	s10 =	sld [smem:$0x3FBB]  }
0x39: {  	_ = 	snop;
	(pc) =	sbr.ind lr, $3  }
0x3a: {  	_ = 	snop  }
0x3b: {  	_ = 	snop  }
0x3c: {  	p2 =	seq.s32 s10, $0x1;
	s10 =	sld [smem:$0x3FBA]  }
0x3d: {  	_ =	shalt  }
0x3e: {  	_ =	shalt  }
0x3f: {  	_ =	shalt  }
0x40: {  	_ =	shalt  }
0x41: {  	_ =	shalt  }
0x42: {  	_ =	shalt  }
0x43: {  	_ =	shalt  }
0x44: {  	_ =	shalt  }
0x45: {  	_ =	shalt  }
0x46: {  	_ =	shalt  }
0x47: {  	_ =	shalt  }
0x48: {  	_ =	shalt  }
0x49: {  	_ =	shalt  }
0x4a: {  	_ =	shalt  }
0x4b: {  	_ =	shalt  }
0x4c: {  	_ =	shalt  }
0x4d: {  	_ =	shalt  }
0x4e: {  	_ =	shalt  }
0x4f: {  	_ =	shalt  }
0x50: {  	_ =	shalt  }
0x51: {  	_ =	shalt  }
0x52: {  	_ =	shalt  }
0x53: {  	_ =	shalt  }
0x54: {  	_ =	shalt  }
0x55: {  	_ =	shalt  }
0x56: {  	_ =	shalt  }
0x57: {  	_ =	shalt  }
0x58: {  	_ =	shalt  }
0x59: {  	_ =	shalt  }
0x5a: {  	_ =	shalt  }
0x5b: {  	_ =	shalt  }
0x5c: {  	_ =	shalt  }
0x5d: {  	_ =	shalt  }
0x5e: {  	_ =	shalt  }
0x5f: {  	_ =	shalt  }
0x60: {  	_ =	shalt  }
0x61: {  	_ =	shalt  }
0x62: {  	_ =	shalt  }
0x63: {  	_ =	shalt  }
0x64: {  	_ =	shalt  }
0x65: {  	_ =	shalt  }
0x66: {  	_ =	shalt  }
0x67: {  	_ =	shalt  }
0x68: {  	_ =	shalt  }
0x69: {  	_ =	shalt  }
0x6a: {  	_ =	shalt  }
0x6b: {  	_ =	shalt  }
0x6c: {  	_ =	shalt  }
0x6d: {  	_ =	shalt  }
0x6e: {  	_ =	shalt  }
0x6f: {  	_ =	shalt  }
0x70: {  	_ =	shalt  }
0x71: {  	_ =	shalt  }
0x72: {  	_ =	shalt  }
0x73: {  	_ =	shalt  }
0x74: {  	_ =	shalt  }
0x75: {  	_ =	shalt  }
0x76: {  	_ =	shalt  }
0x77: {  	_ =	shalt  }
0x78: {  	_ =	shalt  }
0x79: {  	_ =	shalt  }
0x7a: {  	_ =	shalt  }
0x7b: {  	_ =	shalt  }
0x7c: {  	_ =	shalt  }
0x7d: {  	_ =	shalt  }
0x7e: {  	_ =	shalt  }
0x7f: {  	_ =	shalt  }
0x80: {  	_ =	shalt  }
0x81: {  	_ =	shalt  }
0x82: {  	_ =	shalt  }
0x83: {  	_ =	shalt  }
0x84: {  	_ =	shalt  }
0x85: {  	_ =	shalt  }
0x86: {  	_ =	shalt  }
0x87: {  	_ =	shalt  }
.Lfunc_end0:
.L_simem_size_0:
called_computation_lowered:
.L_overlay_start_0:
0x88: {  	s2 =	sld [smem:$0x3FD9]  }
0x89: {  	s3 =	sld [smem:$0x3FFE];
	_ =	sdelay $0x1  }
0x8a: {  	s1 =	srdreg.scid  }
0x8b: {  	s0 =	sand.u32 $0x1, s1  }
0x8c: {  	s17 =	sshll.u32 s0, $0xA;
	s2 =	sadd.s32 s3, s2  }
0x8d: {  	s2 =	sadd.s32 s2, s17  }
0x8e: {  	[smem:$0x3FC6] =	sst s2  }
0x8f: {  	_ = 	snop  }
0x90: {  	s2 =	sld [smem:$0x3FD0];
	(tm) =	ssettm $0x1  }
0x91: {  	s18 =	sld [smem:$0x3FFB];
	_ =	sdelay $0x3  }
0x92: {  	_ =	strace s18  }
0x93: {  	s3 =	sld [smem:$0x3FFC];
	_ =	sdelay $0x3  }
0x94: {  	_ =	strace s3  }
0x95: {  	s3 =	sld [smem:$0x3FFD];
	_ =	sdelay $0x3  }
0x96: {  	_ =	strace s3  }
0x97: {  	_ =	strace $0x8FFFFFFF  }
0x98: {  	s19 =	sld [smem:$0x3FDB];
	_ =	sdelay $0x1  }
0x99: {  	s4 =	simm.s32 $_scs_section_size  }
0x9a: {  	s5 =	simm.s32 $_size__tile_overlayer_lowered;
	s6 =	simm.s32 $_tile_overlayer_lowered  }
0x9b: {  	s22 =	simm.s32 $0x1BFF;
	s21 =	sshll.u32 s6, $0x1;
	s3 =	sadd.s32 s4, s19  }
0x9c: {  	s7 =	simm.s32 $0x0;
	s20 =	sshll.u32 s5, $0x1;
	s5 =	sadd.s32 s21, s3  }
0x9d: {  	[timem:s7], [sflag:s22] =	dma.local [hbm:s5], s20  }
0x9e: {  	_ =	swait.ge [sflag:s22], s20  }
0x9f: {  	s4 =	ssub.s32 $0x0, s20;
	[sflag:s22] =	ssyncset.done $0x0  }
0xa0: {  	[sflag:s22] =	ssyncadd.s32 s4;
	_ =	sdelay $0x1  }
0xa1: {  	s23 =	simm.s32 $0x1B8B  }
0xa2: {  	_ =	swait.ge [sflag:s23], $0x1  }
0xa3: {  	[sflag:s23] =	ssyncset.done $0x0  }
0xa4: {  	s25 =	simm.s32 $0x1B8E;
	s24 =	sld [smem:$0x3FFE];
	[sflag:s23] =	ssyncadd.s32 $0xFFFFFFFF  }
0xa5: {  	s26 =	simm.s32 $execute0_lowered;
	[smem:$0x3FD2] =	sst s25  }
0xa6: {  	s5 =	sshll.u32 s26, $0x1;
	_ =	strace $0x80000046;
	[dreg:$0x1] =	wrdreg $0xFFFFFFFF  }
0xa7: {  	s28 =	simm.s32 $_size_execute0_lowered;
	s3 =	sadd.s32 s3, s5;
	[dreg:$0x0] =	wrdreg $0x0  }
0xa8: {  	s5 =	sshll.u32 s28, $0x1;
	[dreg:$0x2] =	wrdreg s3  }
0xa9: {  	[dreg:$0x3] =	wrdreg s5  }
0xaa: {  	[dreg:$0x4] =	wrdreg $0xC0  }
0xab: {  	_ =	task [dreg:s7], $0x5FFFF  }
0xac: {  	[dreg:$0x1] =	wrdreg $0xFFFFFFFF  }
0xad: {  	[dreg:$0x0] =	wrdreg $0x60  }
0xae: {  	[dreg:$0x2] =	wrdreg s24  }
0xaf: {  	[dreg:$0x3] =	wrdreg s2  }
0xb0: {  	[dreg:$0x4] =	wrdreg $0x9  }
0xb1: {  	_ =	task.clear_ibuf [dreg:s7], $0x5FFFF;
	_ =	strace $0x90000046  }
0xb2: {  	s29 =	simm.s32 $0x9;
	_ =	strace $0x80000048  }
0xb3: {  	_ =	swait.ge [sflag:s29], $0x1  }
0xb4: {  	[sflag:s29] =	ssyncadd.s32 $0xFFFFFFFF  }
0xb5: {  	_ =	strace $0x90000048  }
0xb6: {  	_ =	sfence  }
0xb7: {  	s30 =	sld [smem:$0x0];
	_ =	sdelay $0x2  }
0xb8: {  	s31 =	sshll.u32 s1, $0xD;
	s1 =	sshrl.u32 s1, $0x2  }
0xb9: {  	s3 =	sand.u32 $0x4000, s31;
	s1 =	sadd.s32 s1, s30  }
0xba: {  	s0 =	sor.u32 s3, s0;
	s1 =	sshll.u32 s1, $0x11  }
0xbb: {  	s0 =	sor.u32 s1, s0  }
0xbc: {  	s0 =	sadd.s32 $0x8F2B, s0  }
0xbd: {  	[sflag:s0] =	ssyncadd.remote.s32 $0x1  }
0xbe: {  	_ =	sfence.sel $0xFFFF  }
0xbf: {  	[dreg:$0x0] =	wrdreg $0xFFFFFFFF;
	(pc) =	sbr.abs _section_cstart, $3  }
0xc0: {  	[dreg:$0x1] =	wrdreg $0xFFFFFFFF  }
0xc1: {  	_ =	task.clear_ibuf [dreg:s7], $0x2FFFF;
	_ =	strace $0x9FFFFFFF  }
0xc2: {  	(tm) =	ssettm $0x7FFFFFFF  }
0xc3: {  	_ =	shalt  }
tec
execute0_lowered:
.L_overlay_start_1:
0x0: {  	(tag) =	ssettag $0x1  }
0x1: {  	s4 =	rddreg [dreg:$0x0]  }
0x2: {  	s6 =	rddreg [dreg:$0x1]  }
0x3: {  	s0 =	rddreg [dreg:$0x2];
	s2 =	simm.s32 $0x0  }
0x4: {  	s1 =	stileid.u32;
	s3 =	srdreg.scid;
	s11 =	simm.s32 $0x4100  }
0x5: {  	s12 =	simm.s32 $0x0;
	[smem:$0x7FF] =	sst s2;
	s5 =	sand.u32 $0x1, s3  }
0x6: {  	s7 =	sshll.u32 s1, $0x1;
	s3 =	sadd.s32 $0x400, s4;
	s8 =	sshll.u32 s1, $0xB  }
0x7: {  	_ =	strace $0x80000047;
	s7 =	sor.u32 s5, s7;
	s8 =	sand.u32 $0x6000, s8  }
0x8: {  	s5 =	ssub.s32 $0x2, s5;
	s9 =	sshll.u32 s7, $0x4;
	s8 =	sadd.s32 s8, s4  }
0x9: {  	s10 =	sshrl.u32 s5, $0x1;
	s7 =	sshll.u32 s7, $0x5;
	s9 =	sand.u32 $0x70, s9  }
0xa: {  	s10 =	ssub.s32 s5, s10;
	s4 =	sadd.s32 s4, s7;
	s6 =	sadd.s32 s6, s7  }
0xb: {  	s31 =	sadd.s32 s9, s8;
	s7 =	smax.u32 s10, $0x1;
	s8 =	simm.s32 $0x1  }
0xc: {  	s9 =	simm.s32 $0x80;
	s10 =	simm.s32 $0x400;
	s5 =	sadd.s32 $0x800, s31  }
.LBB2_1:
0xd: {  	[tilespmem:s2], [sflag:$0x1] =	stream.linear.gather [hbm4b:s3+s2], $0x2000, $0x38;
	[tilespmem:$0x4200] =	vst v63  }
0xe: {  	_ =	swait.ge [sflag:s8], $0x2000  }
0xf: {  	[sflag:s8] =	ssyncset.done $0x0  }
0x10: {  	s13 =	simm.s32 $0x2000;
	[sflag:s8] =	ssyncadd.s32 $0xFFFFE000  }
0x11: {  	[tilespmem:s13], [sflag:$0x1] =	stream.linear.gather [hbm4b:s4+s2], $0x100, $0x38;
	[tilespmem:$0x4200] =	vst v63  }
0x12: {  	_ =	swait.ge [sflag:s8], $0x100  }
0x13: {  	[sflag:s8] =	ssyncset.done $0x0  }
0x14: {  	s14 =	simm.s32 $0x2100;
	[sflag:s8] =	ssyncadd.s32 $0xFFFFFF00  }
0x15: {  	[tilespmem:s14], [sflag:$0x1] =	stream.strided.gather [hbm4b:s5+s9], $0x2000, s10, s9, $0x38;
	[tilespmem:$0x4200] =	vst v63  }
0x16: {  	_ =	swait.ge [sflag:s8], $0x2000  }
0x17: {  	[sflag:s8] =	ssyncset.done $0x0  }
0x18: {  	[sflag:s8] =	ssyncadd.s32 $0xFFFFE000  }
0x19: {  	v0 =	vld [tilespmem:s14+$0x0]  }
0x1a: {  	s31 =	sand.u32 $0xF0, s2  }
0x1b: {  	v1 =	vld [tilespmem:s31+$0x2200];
	_ =	sdelay $0x1  }
0x1c: {  	v2 =	vld [tilespmem:s31+$0x2300]  }
0x1d: {  	v3 =	vld [tilespmem:s31+$0x2400]  }
0x1e: {  	v4 =	vld [tilespmem:s31+$0x2500]  }
0x1f: {  	v5 =	vld [tilespmem:s31+$0x2600]  }
0x20: {  	v0 =	vld.idx.msk [tilespmem:v0+s2+$0x0], $0xffff  }
0x21: {  	v6 =	vld [tilespmem:s31+$0x2700]  }
0x22: {  	v1 =	vld.idx.msk [tilespmem:v1+s2+$0x0], $0xffff  }
0x23: {  	v7 =	vld [tilespmem:s31+$0x2800]  }
0x24: {  	v2 =	vld.idx.msk [tilespmem:v2+s2+$0x0], $0xffff  }
0x25: {  	v8 =	vld [tilespmem:s31+$0x2900];
	(erf) = vrcp.f32 v0  }
0x26: {  	v3 =	vld.idx.msk [tilespmem:v3+s2+$0x0], $0xffff  }
0x27: {  	v4 =	vld.idx.msk [tilespmem:v4+s2+$0x0], $0xffff;
	(erf) = vrcp.f32 v1  }
0x28: {  	v5 =	vld.idx.msk [tilespmem:v5+s2+$0x0], $0xffff  }
0x29: {  	v0 =	vld [tilespmem:s13+$0x0];
	(erf) = vrcp.f32 v2  }
0x2a: {  	v1 =	vld [tilespmem:s31+$0x2A00]  }
0x2b: {  	v2 =	vld [tilespmem:s31+$0x2B00];
	(erf) = vrcp.f32 v3  }
0x2c: {  	v3 =	vld.idx.msk [tilespmem:v6+s2+$0x0], $0xffff  }
0x2d: {  	v42 =	vld [tilespmem:s31+$0x2C00];
	(erf) = vrcp.f32 v4  }
0x2e: {  	v43 =	vld.idx.msk [tilespmem:v7+s2+$0x0], $0xffff;
	v44 =	vpop (erf)  }
0x2f: {  	v9 =	vld [tilespmem:s31+$0x2D00];
	(erf) = vrcp.f32 v5;
	v7 =	vmul.f32 v44, v0  }
0x30: {  	v45 =	vld.idx.msk [tilespmem:v8+s2+$0x0], $0xffff;
	v46 =	vpop (erf)  }
0x31: {  	v10 =	vld [tilespmem:s31+$0x2E00];
	(erf) = vrcp.f32 v3;
	v8 =	vmul.f32 v46, v0;
	v7 =	vadd.f32 $0.0e+00, v7  }
0x32: {  	v1 =	vld.idx.msk [tilespmem:v1+s2+$0x0], $0xffff;
	v3 =	vpop (erf)  }
0x33: {  	v11 =	vld [tilespmem:s31+$0x2F00];
	(erf) = vrcp.f32 v43;
	v3 =	vmul.f32 v3, v0;
	v7 =	vadd.f32 v8, v7  }
0x34: {  	v2 =	vld.idx.msk [tilespmem:v2+s2+$0x0], $0xffff;
	v47 =	vpop (erf)  }
0x35: {  	v48 =	vld [tilespmem:s31+$0x3000];
	(erf) = vrcp.f32 v45;
	v4 =	vmul.f32 v47, v0;
	v3 =	vadd.f32 v3, v7  }
0x36: {  	v49 =	vld.idx.msk [tilespmem:v42+s2+$0x0], $0xffff;
	v50 =	vpop (erf)  }
0x37: {  	v51 =	vld [tilespmem:s31+$0x3100];
	v52 =	vmul.f32 v50, v0;
	(erf) = vrcp.f32 v1;
	v3 =	vadd.f32 v4, v3  }
0x38: {  	v1 =	vld.idx.msk [tilespmem:v9+s2+$0x0], $0xffff;
	v53 =	vpop (erf)  }
0x39: {  	v54 =	vld [tilespmem:s31+$0x3200];
	(erf) = vrcp.f32 v2;
	v55 =	vmul.f32 v53, v0;
	v3 =	vadd.f32 v52, v3  }
0x3a: {  	v2 =	vld.idx.msk [tilespmem:v10+s2+$0x0], $0xffff;
	v56 =	vpop (erf)  }
0x3b: {  	v57 =	vld [tilespmem:s31+$0x3300];
	(erf) = vrcp.f32 v49;
	v58 =	vmul.f32 v56, v0;
	v3 =	vadd.f32 v55, v3  }
0x3c: {  	v59 =	vld.idx.msk [tilespmem:v11+s2+$0x0], $0xffff;
	v60 =	vpop (erf)  }
0x3d: {  	v61 =	vld [tilespmem:s31+$0x3400];
	(erf) = vrcp.f32 v1;
	v62 =	vmul.f32 v60, v0;
	v3 =	vadd.f32 v58, v3  }
0x3e: {  	v1 =	vld.idx.msk [tilespmem:v48+s2+$0x0], $0xffff;
	v63 =	vpop (erf)  }
0x3f: {  	v12 =	vld [tilespmem:s31+$0x3500];
	v13 =	vmul.f32 v63, v0;
	(erf) = vrcp.f32 v2;
	v3 =	vadd.f32 v62, v3  }
0x40: {  	v2 =	vld.idx.msk [tilespmem:v51+s2+$0x0], $0xffff;
	v14 =	vpop (erf)  }
0x41: {  	v15 =	vld [tilespmem:s31+$0x3600];
	v16 =	vmul.f32 v14, v0;
	(erf) = vrcp.f32 v59;
	v3 =	vadd.f32 v13, v3  }
0x42: {  	v17 =	vld.idx.msk [tilespmem:v54+s2+$0x0], $0xffff;
	v18 =	vpop (erf)  }
0x43: {  	v19 =	vld [tilespmem:s31+$0x3700];
	(erf) = vrcp.f32 v1;
	v20 =	vmul.f32 v18, v0;
	v3 =	vadd.f32 v16, v3  }
0x44: {  	v1 =	vld.idx.msk [tilespmem:v57+s2+$0x0], $0xffff;
	v21 =	vpop (erf)  }
0x45: {  	v22 =	vld [tilespmem:s31+$0x3800];
	(erf) = vrcp.f32 v2;
	v23 =	vmul.f32 v21, v0;
	v3 =	vadd.f32 v20, v3  }
0x46: {  	v2 =	vld.idx.msk [tilespmem:v61+s2+$0x0], $0xffff;
	v24 =	vpop (erf)  }
0x47: {  	v25 =	vld [tilespmem:s31+$0x3900];
	(erf) = vrcp.f32 v17;
	v26 =	vmul.f32 v24, v0;
	v3 =	vadd.f32 v23, v3  }
0x48: {  	v27 =	vld.idx.msk [tilespmem:v12+s2+$0x0], $0xffff;
	v28 =	vpop (erf)  }
0x49: {  	v29 =	vld [tilespmem:s31+$0x3A00];
	(erf) = vrcp.f32 v1;
	v30 =	vmul.f32 v28, v0;
	v3 =	vadd.f32 v26, v3  }
0x4a: {  	v1 =	vld.idx.msk [tilespmem:v15+s2+$0x0], $0xffff;
	v31 =	vpop (erf)  }
0x4b: {  	(erf) = vrcp.f32 v2;
	v33 =	vmul.f32 v31, v0;
	v3 =	vadd.f32 v30, v3  }
0x4c: {  	v2 =	vld.idx.msk [tilespmem:v19+s2+$0x0], $0xffff;
	v34 =	vpop (erf)  }
0x4d: {  	v32 =	vld [tilespmem:s31+$0x3B00];
	(erf) = vrcp.f32 v27;
	v36 =	vmul.f32 v34, v0;
	v3 =	vadd.f32 v33, v3  }
0x4e: {  	v37 =	vld.idx.msk [tilespmem:v22+s2+$0x0], $0xffff;
	v38 =	vpop (erf)  }
0x4f: {  	v35 =	vld [tilespmem:s31+$0x3C00];
	(erf) = vrcp.f32 v1;
	v40 =	vmul.f32 v38, v0;
	v3 =	vadd.f32 v36, v3  }
0x50: {  	v1 =	vld.idx.msk [tilespmem:v25+s2+$0x0], $0xffff;
	v41 =	vpop (erf)  }
0x51: {  	v39 =	vld [tilespmem:s31+$0x3D00];
	(erf) = vrcp.f32 v2;
	v43 =	vmul.f32 v41, v0;
	v3 =	vadd.f32 v40, v3  }
0x52: {  	v2 =	vld.idx.msk [tilespmem:v29+s2+$0x0], $0xffff;
	v44 =	vpop (erf)  }
0x53: {  	v42 =	vld [tilespmem:s31+$0x3E00];
	(erf) = vrcp.f32 v37;
	v46 =	vmul.f32 v44, v0;
	v3 =	vadd.f32 v43, v3  }
0x54: {  	v45 =	vld [tilespmem:s31+$0x3F00];
	v48 =	vpop (erf)  }
0x55: {  	v47 =	vld.idx.msk [tilespmem:v32+s2+$0x0], $0xffff;
	(erf) = vrcp.f32 v1;
	v50 =	vmul.f32 v48, v0;
	v3 =	vadd.f32 v46, v3  }
0x56: {  	v49 =	vld [tilespmem:s31+$0x4000];
	v51 =	vpop (erf)  }
0x57: {  	v1 =	vld.idx.msk [tilespmem:v35+s2+$0x0], $0xffff;
	(erf) = vrcp.f32 v2;
	v52 =	vmul.f32 v51, v0;
	v3 =	vadd.f32 v50, v3  }
0x58: {  	v53 =	vpop (erf)  }
0x59: {  	v2 =	vld.idx.msk [tilespmem:v39+s2+$0x0], $0xffff;
	v54 =	vmul.f32 v53, v0;
	v3 =	vadd.f32 v52, v3  }
0x5a: {  	(erf) = vrcp.f32 v47;
	v56 =	vpop (erf)  }
0x5b: {  	v55 =	vld.idx.msk [tilespmem:v42+s2+$0x0], $0xffff;
	v57 =	vmul.f32 v56, v0;
	v3 =	vadd.f32 v54, v3  }
0x5c: {  	(erf) = vrcp.f32 v1;
	v58 =	vpop (erf)  }
0x5d: {  	v1 =	vld.idx.msk [tilespmem:v45+s2+$0x0], $0xffff;
	v59 =	vmul.f32 v58, v0;
	v3 =	vadd.f32 v57, v3  }
0x5e: {  	(erf) = vrcp.f32 v2;
	v60 =	vpop (erf)  }
0x5f: {  	v2 =	vld.idx.msk [tilespmem:v49+s2+$0x0], $0xffff;
	v61 =	vmul.f32 v60, v0;
	v3 =	vadd.f32 v59, v3  }
0x60: {  	(erf) = vrcp.f32 v55;
	v62 =	vpop (erf)  }
0x61: {  	v63 =	vmul.f32 v62, v0;
	v3 =	vadd.f32 v61, v3  }
0x62: {  	(erf) = vrcp.f32 v1  }
0x63: {  	v1 =	vpop (erf);
	v3 =	vadd.f32 v63, v3  }
0x64: {  	(erf) = vrcp.f32 v2;
	v1 =	vmul.f32 v1, v0  }
0x65: {  	v2 =	vpop (erf)  }
0x66: {  	v2 =	vmul.f32 v2, v0;
	v1 =	vadd.f32 v1, v3  }
0x67: {  	v3 =	vpop (erf)  }
0x68: {  	v1 =	vadd.f32 v2, v1;
	v2 =	vmul.f32 v3, v0  }
0x69: {  	v3 =	vpop (erf)  }
0x6a: {  	v1 =	vadd.f32 v2, v1;
	v2 =	vmul.f32 v3, v0  }
0x6b: {  	v3 =	vpop (erf)  }
0x6c: {  	v1 =	vadd.f32 v2, v1;
	v2 =	vmul.f32 v3, v0  }
0x6d: {  	v3 =	vpop (erf)  }
0x6e: {  	v0 =	vmul.f32 v3, v0;
	v1 =	vadd.f32 v2, v1;
	_ =	sdelay $0x1  }
0x6f: {  	v0 =	vadd.f32 v0, v1;
	_ =	sdelay $0x1  }
0x70: {  	v0 =	vmul.f32 $3.125000000e-02, v0;
	_ =	sdelay $0x1  }
0x71: {  	vm0 =	veq.f32 v0, $+Inf  }
0x72: {  	v0 =	vsel vm0, $0x447A0000, v0  }
0x73: {  	vm0 =	veq.f32 v0, $-Inf  }
0x74: {  	v0 =	vsel vm0, $0x0, v0  }
0x75: {  	s15 =	simm.s32 $0x2110;
	[tilespmem:s11+$0x0] =	vst v0  }
0x76: {  	s16 =	simm.s32 $0x10;
	s17 =	simm.s32 $0x20;
	s14 =	simm.s32 $0x4100;
	v0 =	vld [tilespmem:s15+$0x0]  }
.LBB2_2:
0x77: {  	p0 =	sne.s32 s17, $0xF0;
	s18 =	sand.u32 $0xF0, s16;
	s16 =	smov.u32 s17  }
0x78: {  	v1 =	vld [tilespmem:s18+$0x2200];
	_ =	sdelay $0x1  }
0x79: {  	v2 =	vld [tilespmem:s18+$0x2300]  }
0x7a: {  	v3 =	vld [tilespmem:s18+$0x2B00]  }
0x7b: {  	v4 =	vld [tilespmem:s18+$0x2400]  }
0x7c: {  	v5 =	vld [tilespmem:s18+$0x2500]  }
0x7d: {  	v0 =	vld.idx.msk [tilespmem:v0+s2+$0x0], $0xffff  }
0x7e: {  	v6 =	vld [tilespmem:s18+$0x2600]  }
0x7f: {  	v1 =	vld.idx.msk [tilespmem:v1+s2+$0x0], $0xffff  }
0x80: {  	v7 =	vld [tilespmem:s18+$0x2700]  }
0x81: {  	v2 =	vld.idx.msk [tilespmem:v2+s2+$0x0], $0xffff  }
0x82: {  	v8 =	vld [tilespmem:s18+$0x2800]  }
0x83: {  	v4 =	vld.idx.msk [tilespmem:v4+s2+$0x0], $0xffff;
	(erf) = vrcp.f32 v0  }
0x84: {  	v9 =	vld [tilespmem:s18+$0x2900]  }
0x85: {  	v5 =	vld.idx.msk [tilespmem:v5+s2+$0x0], $0xffff;
	(erf) = vrcp.f32 v1  }
0x86: {  	v1 =	vld [tilespmem:s18+$0x2A00]  }
0x87: {  	s13 =	sadd.s32 $0x10, s13;
	v6 =	vld.idx.msk [tilespmem:v6+s2+$0x0], $0xffff;
	(erf) = vrcp.f32 v2  }
0x88: {  	v0 =	vld [tilespmem:s13+$0x0]  }
0x89: {  	v2 =	vld.idx.msk [tilespmem:v7+s2+$0x0], $0xffff;
	(erf) = vrcp.f32 v4  }
0x8a: {  	v4 =	vld [tilespmem:s18+$0x2C00]  }
0x8b: {  	v7 =	vld.idx.msk [tilespmem:v8+s2+$0x0], $0xffff;
	(erf) = vrcp.f32 v5  }
0x8c: {  	v5 =	vld [tilespmem:s18+$0x2D00];
	v8 =	vpop (erf)  }
0x8d: {  	v8 =	vmul.f32 v8, v0;
	v9 =	vld.idx.msk [tilespmem:v9+s2+$0x0], $0xffff;
	(erf) = vrcp.f32 v6  }
0x8e: {  	v6 =	vld [tilespmem:s18+$0x2E00];
	v10 =	vpop (erf)  }
0x8f: {  	v8 =	vadd.f32 $0.0e+00, v8;
	v10 =	vmul.f32 v10, v0;
	v1 =	vld.idx.msk [tilespmem:v1+s2+$0x0], $0xffff;
	(erf) = vrcp.f32 v2  }
0x90: {  	v2 =	vld [tilespmem:s18+$0x2F00];
	v11 =	vpop (erf)  }
0x91: {  	v8 =	vadd.f32 v10, v8;
	v10 =	vmul.f32 v11, v0;
	v3 =	vld.idx.msk [tilespmem:v3+s2+$0x0], $0xffff;
	(erf) = vrcp.f32 v7  }
0x92: {  	v7 =	vld [tilespmem:s18+$0x3000];
	v11 =	vpop (erf)  }
0x93: {  	v8 =	vadd.f32 v10, v8;
	v10 =	vmul.f32 v11, v0;
	v4 =	vld.idx.msk [tilespmem:v4+s2+$0x0], $0xffff;
	(erf) = vrcp.f32 v9  }
0x94: {  	v9 =	vld [tilespmem:s18+$0x3100];
	v11 =	vpop (erf)  }
0x95: {  	v8 =	vadd.f32 v10, v8;
	v10 =	vmul.f32 v11, v0;
	v5 =	vld.idx.msk [tilespmem:v5+s2+$0x0], $0xffff;
	(erf) = vrcp.f32 v1  }
0x96: {  	v1 =	vld [tilespmem:s18+$0x3200];
	v11 =	vpop (erf)  }
0x97: {  	v8 =	vadd.f32 v10, v8;
	v10 =	vmul.f32 v11, v0;
	v6 =	vld.idx.msk [tilespmem:v6+s2+$0x0], $0xffff;
	(erf) = vrcp.f32 v3  }
0x98: {  	v3 =	vld [tilespmem:s18+$0x3300];
	v11 =	vpop (erf)  }
0x99: {  	v8 =	vadd.f32 v10, v8;
	v10 =	vmul.f32 v11, v0;
	v2 =	vld.idx.msk [tilespmem:v2+s2+$0x0], $0xffff;
	(erf) = vrcp.f32 v4  }
0x9a: {  	v4 =	vld [tilespmem:s18+$0x3400];
	v11 =	vpop (erf)  }
0x9b: {  	v8 =	vadd.f32 v10, v8;
	v10 =	vmul.f32 v11, v0;
	v7 =	vld.idx.msk [tilespmem:v7+s2+$0x0], $0xffff;
	(erf) = vrcp.f32 v5  }
0x9c: {  	v5 =	vld [tilespmem:s18+$0x3500];
	v11 =	vpop (erf)  }
0x9d: {  	v8 =	vadd.f32 v10, v8;
	v10 =	vmul.f32 v11, v0;
	v9 =	vld.idx.msk [tilespmem:v9+s2+$0x0], $0xffff;
	(erf) = vrcp.f32 v6  }
0x9e: {  	v6 =	vld [tilespmem:s18+$0x3600];
	v11 =	vpop (erf)  }
0x9f: {  	v8 =	vadd.f32 v10, v8;
	v10 =	vmul.f32 v11, v0;
	v1 =	vld.idx.msk [tilespmem:v1+s2+$0x0], $0xffff;
	(erf) = vrcp.f32 v2  }
0xa0: {  	v2 =	vld [tilespmem:s18+$0x3700];
	v11 =	vpop (erf)  }
0xa1: {  	v8 =	vadd.f32 v10, v8;
	v10 =	vmul.f32 v11, v0;
	v3 =	vld.idx.msk [tilespmem:v3+s2+$0x0], $0xffff;
	(erf) = vrcp.f32 v7  }
0xa2: {  	v7 =	vld [tilespmem:s18+$0x3800];
	v11 =	vpop (erf)  }
0xa3: {  	v8 =	vadd.f32 v10, v8;
	v10 =	vmul.f32 v11, v0;
	v4 =	vld.idx.msk [tilespmem:v4+s2+$0x0], $0xffff;
	(erf) = vrcp.f32 v9  }
0xa4: {  	v9 =	vld [tilespmem:s18+$0x3900];
	v11 =	vpop (erf)  }
0xa5: {  	v8 =	vadd.f32 v10, v8;
	v10 =	vmul.f32 v11, v0;
	v5 =	vld.idx.msk [tilespmem:v5+s2+$0x0], $0xffff;
	(erf) = vrcp.f32 v1  }
0xa6: {  	v1 =	vld [tilespmem:s18+$0x3A00];
	v11 =	vpop (erf)  }
0xa7: {  	v8 =	vadd.f32 v10, v8;
	v10 =	vmul.f32 v11, v0;
	v6 =	vld.idx.msk [tilespmem:v6+s2+$0x0], $0xffff;
	(erf) = vrcp.f32 v3  }
0xa8: {  	v3 =	vld [tilespmem:s18+$0x3B00];
	v11 =	vpop (erf)  }
0xa9: {  	v8 =	vadd.f32 v10, v8;
	v10 =	vmul.f32 v11, v0;
	v2 =	vld.idx.msk [tilespmem:v2+s2+$0x0], $0xffff;
	(erf) = vrcp.f32 v4  }
0xaa: {  	v4 =	vld [tilespmem:s18+$0x3C00];
	v11 =	vpop (erf)  }
0xab: {  	v8 =	vadd.f32 v10, v8;
	v10 =	vmul.f32 v11, v0;
	v7 =	vld.idx.msk [tilespmem:v7+s2+$0x0], $0xffff;
	(erf) = vrcp.f32 v5  }
0xac: {  	v5 =	vld [tilespmem:s18+$0x3D00];
	v11 =	vpop (erf)  }
0xad: {  	v8 =	vadd.f32 v10, v8;
	v10 =	vmul.f32 v11, v0;
	v9 =	vld.idx.msk [tilespmem:v9+s2+$0x0], $0xffff;
	(erf) = vrcp.f32 v6  }
0xae: {  	v6 =	vld [tilespmem:s18+$0x3E00];
	v11 =	vpop (erf)  }
0xaf: {  	v8 =	vadd.f32 v10, v8;
	v10 =	vmul.f32 v11, v0;
	v1 =	vld.idx.msk [tilespmem:v1+s2+$0x0], $0xffff;
	(erf) = vrcp.f32 v2  }
0xb0: {  	v2 =	vld [tilespmem:s18+$0x3F00];
	v11 =	vpop (erf)  }
0xb1: {  	v8 =	vadd.f32 v10, v8;
	v10 =	vmul.f32 v11, v0;
	v3 =	vld.idx.msk [tilespmem:v3+s2+$0x0], $0xffff;
	(erf) = vrcp.f32 v7  }
0xb2: {  	v7 =	vld [tilespmem:s18+$0x4000];
	v11 =	vpop (erf)  }
0xb3: {  	v8 =	vadd.f32 v10, v8;
	v10 =	vmul.f32 v11, v0;
	v4 =	vld.idx.msk [tilespmem:v4+s2+$0x0], $0xffff;
	(erf) = vrcp.f32 v9  }
0xb4: {  	v9 =	vpop (erf)  }
0xb5: {  	v8 =	vadd.f32 v10, v8;
	v9 =	vmul.f32 v9, v0;
	v5 =	vld.idx.msk [tilespmem:v5+s2+$0x0], $0xffff;
	(erf) = vrcp.f32 v1  }
0xb6: {  	v1 =	vpop (erf)  }
0xb7: {  	v8 =	vadd.f32 v9, v8;
	v1 =	vmul.f32 v1, v0;
	v6 =	vld.idx.msk [tilespmem:v6+s2+$0x0], $0xffff;
	(erf) = vrcp.f32 v3  }
0xb8: {  	v3 =	vpop (erf)  }
0xb9: {  	v1 =	vadd.f32 v1, v8;
	v3 =	vmul.f32 v3, v0;
	v2 =	vld.idx.msk [tilespmem:v2+s2+$0x0], $0xffff;
	(erf) = vrcp.f32 v4  }
0xba: {  	v4 =	vpop (erf)  }
0xbb: {  	v1 =	vadd.f32 v3, v1;
	v3 =	vmul.f32 v4, v0;
	v4 =	vld.idx.msk [tilespmem:v7+s2+$0x0], $0xffff;
	(erf) = vrcp.f32 v5  }
0xbc: {  	v5 =	vpop (erf)  }
0xbd: {  	v1 =	vadd.f32 v3, v1;
	v3 =	vmul.f32 v5, v0;
	(erf) = vrcp.f32 v6  }
0xbe: {  	v5 =	vpop (erf)  }
0xbf: {  	v1 =	vadd.f32 v3, v1;
	v5 =	vmul.f32 v5, v0;
	(erf) = vrcp.f32 v2  }
0xc0: {  	v2 =	vpop (erf)  }
0xc1: {  	v1 =	vadd.f32 v5, v1;
	v2 =	vmul.f32 v2, v0;
	(erf) = vrcp.f32 v4  }
0xc2: {  	v3 =	vpop (erf)  }
0xc3: {  	v1 =	vadd.f32 v2, v1;
	v2 =	vmul.f32 v3, v0  }
0xc4: {  	v3 =	vpop (erf)  }
0xc5: {  	v1 =	vadd.f32 v2, v1;
	v2 =	vmul.f32 v3, v0  }
0xc6: {  	v3 =	vpop (erf)  }
0xc7: {  	v1 =	vadd.f32 v2, v1;
	v2 =	vmul.f32 v3, v0  }
0xc8: {  	v3 =	vpop (erf)  }
0xc9: {  	v1 =	vadd.f32 v2, v1;
	v2 =	vmul.f32 v3, v0  }
0xca: {  	v3 =	vpop (erf)  }
0xcb: {  	v1 =	vadd.f32 v2, v1;
	v0 =	vmul.f32 v3, v0;
	_ =	sdelay $0x1  }
0xcc: {  	v0 =	vadd.f32 v0, v1;
	_ =	sdelay $0x1  }
0xcd: {  	v0 =	vmul.f32 $3.125000000e-02, v0;
	_ =	sdelay $0x1  }
0xce: {  	vm0 =	veq.f32 v0, $+Inf  }
.Ltmp0:
0xcf: {  	v0 =	vsel vm0, $0x447A0000, v0;
	(pc) =	sbr.rel @p0 .LBB2_2-.Ltmp0, $4  }
0xd0: {  	vm0 =	veq.f32 v0, $-Inf  }
0xd1: {  	s14 =	sadd.s32 $0x10, s14;
	v0 =	vsel vm0, $0x0, v0  }
0xd2: {  	s15 =	sadd.s32 $0x10, s15;
	[tilespmem:s14+$0x0] =	vst v0  }
0xd3: {  	s17 =	sadd.s32 $0x10, s17;
	v0 =	vld [tilespmem:s15+$0x0]  }
0xd4: {  	_ = 	snop  }
0xd5: {  	s15 =	sand.u32 $0xF0, s16  }
0xd6: {  	v1 =	vld [tilespmem:s15+$0x2200];
	_ =	sdelay $0x1  }
0xd7: {  	v2 =	vld [tilespmem:s15+$0x2300]  }
0xd8: {  	v3 =	vld [tilespmem:s15+$0x2400]  }
0xd9: {  	v4 =	vld [tilespmem:s15+$0x2500]  }
0xda: {  	v5 =	vld [tilespmem:s15+$0x2600]  }
0xdb: {  	v0 =	vld.idx.msk [tilespmem:v0+s2+$0x0], $0xffff  }
0xdc: {  	v6 =	vld [tilespmem:s15+$0x2700]  }
0xdd: {  	v1 =	vld.idx.msk [tilespmem:v1+s2+$0x0], $0xffff  }
0xde: {  	v7 =	vld [tilespmem:s15+$0x2800]  }
0xdf: {  	v2 =	vld.idx.msk [tilespmem:v2+s2+$0x0], $0xffff  }
0xe0: {  	v8 =	vld [tilespmem:s15+$0x2900];
	(erf) = vrcp.f32 v0  }
0xe1: {  	v3 =	vld.idx.msk [tilespmem:v3+s2+$0x0], $0xffff  }
0xe2: {  	v15 =	vld [tilespmem:s15+$0x2A00];
	(erf) = vrcp.f32 v1  }
0xe3: {  	v4 =	vld.idx.msk [tilespmem:v4+s2+$0x0], $0xffff  }
0xe4: {  	s13 =	sadd.s32 $0x10, s13;
	v5 =	vld.idx.msk [tilespmem:v5+s2+$0x0], $0xffff;
	(erf) = vrcp.f32 v2  }
0xe5: {  	v0 =	vld [tilespmem:s13+$0x0]  }
0xe6: {  	v16 =	vld [tilespmem:s15+$0x2B00];
	(erf) = vrcp.f32 v3  }
0xe7: {  	v17 =	vld.idx.msk [tilespmem:v6+s2+$0x0], $0xffff  }
0xe8: {  	v18 =	vld [tilespmem:s15+$0x2C00];
	(erf) = vrcp.f32 v4  }
0xe9: {  	v19 =	vld.idx.msk [tilespmem:v7+s2+$0x0], $0xffff;
	v20 =	vpop (erf)  }
0xea: {  	v9 =	vld [tilespmem:s15+$0x2D00];
	(erf) = vrcp.f32 v5;
	v7 =	vmul.f32 v20, v0  }
0xeb: {  	v21 =	vld.idx.msk [tilespmem:v8+s2+$0x0], $0xffff;
	v22 =	vpop (erf)  }
0xec: {  	v10 =	vld [tilespmem:s15+$0x2E00];
	v7 =	vadd.f32 $0.0e+00, v7;
	(erf) = vrcp.f32 v17;
	v8 =	vmul.f32 v22, v0  }
0xed: {  	v1 =	vld.idx.msk [tilespmem:v15+s2+$0x0], $0xffff;
	v23 =	vpop (erf)  }
0xee: {  	v11 =	vld [tilespmem:s15+$0x2F00];
	(erf) = vrcp.f32 v19;
	v3 =	vmul.f32 v23, v0;
	v7 =	vadd.f32 v8, v7  }
0xef: {  	v2 =	vld.idx.msk [tilespmem:v16+s2+$0x0], $0xffff;
	v24 =	vpop (erf)  }
0xf0: {  	v25 =	vld [tilespmem:s15+$0x3000];
	(erf) = vrcp.f32 v21;
	v4 =	vmul.f32 v24, v0;
	v3 =	vadd.f32 v3, v7  }
0xf1: {  	v26 =	vld.idx.msk [tilespmem:v18+s2+$0x0], $0xffff;
	v27 =	vpop (erf)  }
0xf2: {  	v28 =	vld [tilespmem:s15+$0x3100];
	(erf) = vrcp.f32 v1;
	v29 =	vmul.f32 v27, v0;
	v3 =	vadd.f32 v4, v3  }
0xf3: {  	v30 =	vld.idx.msk [tilespmem:v9+s2+$0x0], $0xffff;
	v31 =	vpop (erf)  }
0xf4: {  	v32 =	vld [tilespmem:s15+$0x3200];
	(erf) = vrcp.f32 v2;
	v33 =	vmul.f32 v31, v0;
	v3 =	vadd.f32 v29, v3  }
0xf5: {  	v34 =	vld.idx.msk [tilespmem:v10+s2+$0x0], $0xffff;
	v35 =	vpop (erf)  }
0xf6: {  	v36 =	vld [tilespmem:s15+$0x3300];
	(erf) = vrcp.f32 v26;
	v37 =	vmul.f32 v35, v0;
	v3 =	vadd.f32 v33, v3  }
0xf7: {  	v38 =	vld.idx.msk [tilespmem:v11+s2+$0x0], $0xffff;
	v39 =	vpop (erf)  }
0xf8: {  	v40 =	vld [tilespmem:s15+$0x3400];
	(erf) = vrcp.f32 v30;
	v41 =	vmul.f32 v39, v0;
	v3 =	vadd.f32 v37, v3  }
0xf9: {  	v42 =	vld.idx.msk [tilespmem:v25+s2+$0x0], $0xffff;
	v43 =	vpop (erf)  }
0xfa: {  	v44 =	vld [tilespmem:s15+$0x3500];
	(erf) = vrcp.f32 v34;
	v45 =	vmul.f32 v43, v0;
	v3 =	vadd.f32 v41, v3  }
0xfb: {  	v46 =	vld.idx.msk [tilespmem:v28+s2+$0x0], $0xffff;
	v47 =	vpop (erf)  }
0xfc: {  	v48 =	vld [tilespmem:s15+$0x3600];
	(erf) = vrcp.f32 v38;
	v49 =	vmul.f32 v47, v0;
	v3 =	vadd.f32 v45, v3  }
0xfd: {  	v50 =	vld.idx.msk [tilespmem:v32+s2+$0x0], $0xffff;
	v51 =	vpop (erf)  }
0xfe: {  	v52 =	vld [tilespmem:s15+$0x3700];
	(erf) = vrcp.f32 v42;
	v53 =	vmul.f32 v51, v0;
	v3 =	vadd.f32 v49, v3  }
0xff: {  	v54 =	vld.idx.msk [tilespmem:v36+s2+$0x0], $0xffff;
	v55 =	vpop (erf)  }
0x100: {  	v56 =	vld [tilespmem:s15+$0x3800];
	(erf) = vrcp.f32 v46;
	v57 =	vmul.f32 v55, v0;
	v3 =	vadd.f32 v53, v3  }
0x101: {  	v58 =	vld.idx.msk [tilespmem:v40+s2+$0x0], $0xffff;
	v59 =	vpop (erf)  }
0x102: {  	v60 =	vld [tilespmem:s15+$0x3900];
	(erf) = vrcp.f32 v50;
	v61 =	vmul.f32 v59, v0;
	v3 =	vadd.f32 v57, v3  }
0x103: {  	v62 =	vld.idx.msk [tilespmem:v44+s2+$0x0], $0xffff;
	v63 =	vpop (erf)  }
0x104: {  	v12 =	vld [tilespmem:s15+$0x3A00];
	(erf) = vrcp.f32 v54;
	v13 =	vmul.f32 v63, v0;
	v3 =	vadd.f32 v61, v3  }
0x105: {  	v14 =	vld.idx.msk [tilespmem:v48+s2+$0x0], $0xffff;
	v15 =	vpop (erf)  }
0x106: {  	v18 =	vld.idx.msk [tilespmem:v52+s2+$0x0], $0xffff;
	(erf) = vrcp.f32 v58;
	v17 =	vmul.f32 v15, v0;
	v3 =	vadd.f32 v13, v3  }
0x107: {  	v16 =	vld [tilespmem:s15+$0x3B00];
	v19 =	vpop (erf)  }
0x108: {  	v20 =	vld [tilespmem:s15+$0x3C00];
	(erf) = vrcp.f32 v62;
	v21 =	vmul.f32 v19, v0;
	v3 =	vadd.f32 v17, v3  }
0x109: {  	v22 =	vld.idx.msk [tilespmem:v56+s2+$0x0], $0xffff;
	v23 =	vpop (erf)  }
0x10a: {  	v24 =	vld [tilespmem:s15+$0x3D00];
	(erf) = vrcp.f32 v14;
	v25 =	vmul.f32 v23, v0;
	v3 =	vadd.f32 v21, v3  }
0x10b: {  	v26 =	vld.idx.msk [tilespmem:v60+s2+$0x0], $0xffff;
	v27 =	vpop (erf)  }
0x10c: {  	v28 =	vld [tilespmem:s15+$0x3E00];
	(erf) = vrcp.f32 v18;
	v29 =	vmul.f32 v27, v0;
	v3 =	vadd.f32 v25, v3  }
0x10d: {  	v30 =	vld.idx.msk [tilespmem:v12+s2+$0x0], $0xffff;
	v31 =	vpop (erf)  }
0x10e: {  	v32 =	vld [tilespmem:s15+$0x3F00];
	(erf) = vrcp.f32 v22;
	v33 =	vmul.f32 v31, v0;
	v3 =	vadd.f32 v29, v3  }
0x10f: {  	v34 =	vld.idx.msk [tilespmem:v16+s2+$0x0], $0xffff;
	v35 =	vpop (erf)  }
0x110: {  	v36 =	vld [tilespmem:s15+$0x4000];
	(erf) = vrcp.f32 v26;
	v37 =	vmul.f32 v35, v0;
	v3 =	vadd.f32 v33, v3  }
0x111: {  	v38 =	vld.idx.msk [tilespmem:v20+s2+$0x0], $0xffff;
	v39 =	vpop (erf)  }
0x112: {  	(erf) = vrcp.f32 v30;
	v40 =	vmul.f32 v39, v0;
	v3 =	vadd.f32 v37, v3  }
0x113: {  	v41 =	vld.idx.msk [tilespmem:v24+s2+$0x0], $0xffff;
	v42 =	vpop (erf)  }
0x114: {  	(erf) = vrcp.f32 v34;
	v43 =	vmul.f32 v42, v0;
	v3 =	vadd.f32 v40, v3  }
0x115: {  	v44 =	vld.idx.msk [tilespmem:v28+s2+$0x0], $0xffff;
	v45 =	vpop (erf)  }
0x116: {  	(erf) = vrcp.f32 v38;
	v46 =	vmul.f32 v45, v0;
	v3 =	vadd.f32 v43, v3  }
0x117: {  	v47 =	vld.idx.msk [tilespmem:v32+s2+$0x0], $0xffff;
	v48 =	vpop (erf)  }
0x118: {  	(erf) = vrcp.f32 v41;
	v49 =	vmul.f32 v48, v0;
	v3 =	vadd.f32 v46, v3  }
0x119: {  	v50 =	vld.idx.msk [tilespmem:v36+s2+$0x0], $0xffff;
	v51 =	vpop (erf)  }
0x11a: {  	(erf) = vrcp.f32 v44;
	v52 =	vmul.f32 v51, v0;
	v3 =	vadd.f32 v49, v3  }
0x11b: {  	v53 =	vpop (erf)  }
0x11c: {  	(erf) = vrcp.f32 v47;
	v54 =	vmul.f32 v53, v0;
	v3 =	vadd.f32 v52, v3  }
0x11d: {  	v55 =	vpop (erf)  }
0x11e: {  	(erf) = vrcp.f32 v50;
	v1 =	vmul.f32 v55, v0;
	v3 =	vadd.f32 v54, v3  }
0x11f: {  	v56 =	vpop (erf)  }
0x120: {  	v2 =	vmul.f32 v56, v0;
	v1 =	vadd.f32 v1, v3  }
0x121: {  	v57 =	vpop (erf)  }
0x122: {  	v58 =	vmul.f32 v57, v0;
	v1 =	vadd.f32 v2, v1  }
0x123: {  	v59 =	vpop (erf)  }
0x124: {  	v60 =	vmul.f32 v59, v0;
	v1 =	vadd.f32 v58, v1  }
0x125: {  	v61 =	vpop (erf)  }
0x126: {  	v62 =	vmul.f32 v61, v0;
	v1 =	vadd.f32 v60, v1  }
0x127: {  	v63 =	vpop (erf)  }
0x128: {  	v0 =	vmul.f32 v63, v0;
	v1 =	vadd.f32 v62, v1;
	_ =	sdelay $0x1  }
0x129: {  	v0 =	vadd.f32 v0, v1;
	_ =	sdelay $0x1  }
0x12a: {  	v0 =	vmul.f32 $3.125000000e-02, v0;
	_ =	sdelay $0x1  }
0x12b: {  	vm0 =	veq.f32 v0, $+Inf  }
0x12c: {  	v0 =	vsel vm0, $0x447A0000, v0  }
0x12d: {  	s12 =	sadd.s32 $0x1, s12;
	vm0 =	veq.f32 v0, $-Inf  }
0x12e: {  	s31 =	sadd.s32 $0x10, s14;
	p0 =	sne.s32 s12, s7;
	v0 =	vsel vm0, $0x0, v0  }
.Ltmp1:
0x12f: {  	[tilespmem:s31+$0x0] =	vst v0;
	(pc) =	sbr.rel @p0 .LBB2_1-.Ltmp1, $4  }
0x130: {  	[hbm4b:s6+s2] =	stream.linear.scatter [tilespmem:s11], [sflag:$0x1], $0x100, $0x38;
	[tilespmem:$0x4200] =	vst v63  }
0x131: {  	_ =	swait.ge [sflag:s8], $0x100  }
0x132: {  	[sflag:s8] =	ssyncset.done $0x0  }
0x133: {  	[sflag:s8] =	ssyncadd.s32 $0xFFFFFF00  }
0x134: {  	_ =	sfence.sel $0x180000  }
0x135: {  	[bflag:$0x0] =	sbarrier.arrive $0xFFFF  }
0x136: {  	p0 =	sne.s32 s1, $0x0;
	_ =	strace $0x90000047  }
0x137: {  	s0 =	sadd.s32 @!p0 $0x100000, s0;
	[bflag:$0x2] =	sbarrier.arrive $0xFFFF  }
0x138: {  	[sflag:s0] =	ssyncadd.tile.s32 @!p0 $0x1;
	_ =	shalt  }
.Lfunc_end2:
_tile_overlayer_lowered:
.L_overlay_start_2:
0x139: {  	(tag) =	ssettag $0x2  }
0x13a: {  	s0 =	rddreg [dreg:$0x0];
	s2 =	stileid.u32  }
0x13b: {  	s1 =	rddreg [dreg:$0x1];
	p0 =	sne.s32 s2, $0x0  }
0x13c: {  	s3 =	rddreg [dreg:$0x2];
	[bflag:$0x3] =	sbarrier.arrive $0xFFFF;
	s2 =	simm.s32 @!p0 $0x1C01  }
0x13d: {  	[timem:s3], [sflag:s2] =	dma.local @!p0 [hbm:s0], s1  }
0x13e: {  	s0 =	simm.s32 @!p0 $0x1  }
0x13f: {  	_ =	swait.ge @!p0 [sflag:s0], s1  }
0x140: {  	s1 =	ssub.s32 @!p0 $0x0, s1;
	[sflag:s0] =	ssyncset.done @!p0 $0x0  }
0x141: {  	[sflag:s0] =	ssyncadd.s32 @!p0 s1  }
0x142: {  	[bflag:$0x3] =	sbarrier.arrive $0xFFFF  }
0x143: {  	_ =	shalt  }

</sc_bundles>
